<compile_context>
chip_gen: v7x
topology: tpu7x:2x2x1
jax: 0.10.2.dev20260603
libtpu: 0.0.44.dev20260713+nightly
codegen_flags: <defaults>
</compile_context>

<pallas_src>
import functools

import jax
import jax.numpy as jnp
from jax import lax
from jax.experimental import pallas as pl
from jax.experimental.pallas import tpu as pltpu
from jax.experimental.pallas import tpu_sc as plsc

N = 10000
E = 320000
HEADS = 2
NC, NS, L = 2, 16, 16
K = 128
CHUNKS = E // K
NPAD = 10112
ROWS_PER_TILE = NPAD // NS


def _prep_body(x_ref, w_ref, asrc_ref, adst_ref, haug_ref, asd_ref, *, o, wa):
    xb = x_ref[...]
    h = jnp.dot(xb, w_ref[...], preferred_element_type=jnp.float32,
                precision=jax.lax.Precision.HIGHEST)
    bn = xb.shape[0]
    for hd in range(HEADS):
        hh = h[:, hd * o:(hd + 1) * o]
        ones = jnp.ones((bn, 1), jnp.float32)
        pad = jnp.zeros((bn, wa - o - 1), jnp.float32)
        haug_ref[hd] = jnp.concatenate([hh, ones, pad], axis=1)
        asd_ref[0, hd, 0, :] = jnp.sum(hh * asrc_ref[hd][None, :], axis=1)
        asd_ref[0, hd, 1, :] = jnp.sum(hh * adst_ref[hd][None, :], axis=1)


def _prep(x_in, W, a_src, a_dst, o, wa, bn=400):
    cin = x_in.shape[1]
    grid = (N // bn,)
    return pl.pallas_call(
        functools.partial(_prep_body, o=o, wa=wa),
        grid=grid,
        in_specs=[
            pl.BlockSpec((bn, cin), lambda i: (i, 0)),
            pl.BlockSpec((cin, HEADS * o), lambda i: (0, 0)),
            pl.BlockSpec((HEADS, o), lambda i: (0, 0)),
            pl.BlockSpec((HEADS, o), lambda i: (0, 0)),
        ],
        out_specs=[
            pl.BlockSpec((HEADS, bn, wa), lambda i: (0, i, 0)),
            pl.BlockSpec((1, HEADS, 2, bn), lambda i: (i, 0, 0, 0)),
        ],
        out_shape=[
            jax.ShapeDtypeStruct((HEADS, N, wa), jnp.float32),
            jax.ShapeDtypeStruct((N // bn, HEADS, 2, bn), jnp.float32),
        ],
    )(x_in, W, a_src, a_dst)


def _m_body(asd_ref, m_ref):
    a = asd_ref[...]
    mx = jnp.max(a, axis=(0, 3))
    m = jnp.maximum(mx[:, 0] + mx[:, 1], 0.0)
    m_ref[...] = jnp.broadcast_to(m[:, None], (HEADS, 16))


def _m_bound(asd):
    return pl.pallas_call(
        _m_body,
        out_shape=jax.ShapeDtypeStruct((HEADS, 16), jnp.float32),
    )(asd)


def _make_edge_kernel(wa):
    mesh = plsc.VectorSubcoreMesh(core_axis_name="c", subcore_axis_name="s")

    @functools.partial(
        pl.kernel,
        mesh=mesh,
        compiler_params=pltpu.CompilerParams(
            needs_layout_passes=False, use_tc_tiling_on_sc=False),
        out_type=jax.ShapeDtypeStruct((HEADS * NPAD, wa), jnp.float32),
        scratch_types=[
            pltpu.VMEM((N,), jnp.float32),
            pltpu.VMEM((N,), jnp.float32),
            pltpu.VMEM((16,), jnp.float32),
            pltpu.VMEM((K,), jnp.int32),
            pltpu.VMEM((K,), jnp.int32),
            pltpu.VMEM((K,), jnp.int32),
            pltpu.VMEM((K,), jnp.float32),
            pltpu.VMEM((K, wa), jnp.float32),
            pltpu.VMEM_SHARED((NPAD, wa), jnp.float32),
            pltpu.SemaphoreType.DMA,
        ],
    )
    def k(haug, ei, asd, mb, zeros_hbm, out,
          as_t, ad_t, m_v, src_c, dst_c, idx_c, p_c, rows, acc, sem):
        head = lax.axis_index("c")
        sid = lax.axis_index("s")
        pltpu.sync_copy(asd.at[head, 0], as_t)
        pltpu.sync_copy(asd.at[head, 1], ad_t)
        pltpu.sync_copy(mb.at[head], m_v)
        pltpu.sync_copy(zeros_hbm.at[pl.ds(sid * ROWS_PER_TILE, ROWS_PER_TILE)],
                        acc.at[pl.ds(sid * ROWS_PER_TILE, ROWS_PER_TILE)])
        plsc.subcore_barrier()

        m_vec = m_v[...]
        off = head * N
        offp = head * NPAD
        n_iters = (CHUNKS + NS - 1) // NS

        def chunk_body(ci, carry):
            g = sid + ci * NS

            @pl.when(g < CHUNKS)
            def _():
                e0 = g * K
                pltpu.sync_copy(ei.at[0, pl.ds(e0, K)], src_c)
                pltpu.sync_copy(ei.at[1, pl.ds(e0, K)], dst_c)
                for j in range(K // L):
                    sl = pl.ds(j * L, L)
                    s_i = src_c[sl]
                    d_i = dst_c[sl]
                    a_s = plsc.load_gather(as_t, [s_i])
                    a_d = plsc.load_gather(ad_t, [d_i])
                    al = a_s + a_d
                    al = jnp.maximum(al, 0.2 * al)
                    p_c[sl] = jnp.exp(al - m_vec)
                    idx_c[sl] = s_i + off
                pltpu.async_copy(haug.at[idx_c], rows, sem).wait()

                def row_body(r, c2):
                    pr = plsc.load_gather(p_c, [jnp.full((L,), r, jnp.int32)])
                    for w in range(wa // L):
                        cw = pl.ds(w * L, L)
                        rows[r, cw] = rows[r, cw] * pr
                    return c2
                lax.fori_loop(0, K, row_body, 0)
                pltpu.sync_copy(rows, acc.at[dst_c], add=True)
            return carry

        lax.fori_loop(0, n_iters, chunk_body, 0)
        plsc.subcore_barrier()
        pltpu.sync_copy(
            acc.at[pl.ds(sid * ROWS_PER_TILE, ROWS_PER_TILE)],
            out.at[pl.ds(offp + sid * ROWS_PER_TILE, ROWS_PER_TILE)])

    return k


def _combine_body(acc_ref, haug_ref, asd_ref, m_ref, b_ref, out_ref, *, o, wa):
    for hd in range(HEADS):
        a_s = asd_ref[0, hd, 0, :]
        a_d = asd_ref[0, hd, 1, :]
        al = a_s + a_d
        al = jnp.maximum(al, 0.2 * al)
        ps = jnp.exp(al - m_ref[hd, 0])
        hh = haug_ref[hd, :, 0:o]
        num = acc_ref[hd, :, 0:o] + ps[:, None] * hh
        den = acc_ref[hd, :, o] + ps + 1e-16
        v = num / den[:, None] + b_ref[0, hd * o:(hd + 1) * o][None, :]
        out_ref[:, hd * o:(hd + 1) * o] = jnp.where(
            v > 0, v, jnp.exp(jnp.minimum(v, 0.0)) - 1.0)


def _combine(acc, haug, asd, m_b, b, o, wa, bn=400):
    grid = (N // bn,)
    return pl.pallas_call(
        functools.partial(_combine_body, o=o, wa=wa),
        grid=grid,
        in_specs=[
            pl.BlockSpec((HEADS, bn, wa), lambda i: (0, i, 0)),
            pl.BlockSpec((HEADS, bn, wa), lambda i: (0, i, 0)),
            pl.BlockSpec((1, HEADS, 2, bn), lambda i: (i, 0, 0, 0)),
            pl.BlockSpec((HEADS, 16), lambda i: (0, 0)),
            pl.BlockSpec((1, HEADS * o), lambda i: (0, 0)),
        ],
        out_specs=pl.BlockSpec((bn, HEADS * o), lambda i: (i, 0)),
        out_shape=jax.ShapeDtypeStruct((N, HEADS * o), jnp.float32),
    )(acc, haug, asd, m_b, b.reshape(1, -1))


def _gat_layer(x_in, edge_index, W, a_src, a_dst, b, o, wa):
    haug, asd_blk = _prep(x_in, W, a_src, a_dst, o, wa)
    m_b = _m_bound(asd_blk)
    asd = asd_blk.transpose(1, 2, 0, 3).reshape(HEADS, 2, N)
    zeros = jnp.zeros((NPAD, wa), jnp.float32)
    edge_k = _make_edge_kernel(wa)
    accp = edge_k(haug.reshape(HEADS * N, wa), edge_index, asd, m_b, zeros)
    accp = accp.reshape(HEADS, NPAD, wa)
    acc = accp[:, :N, :]
    return _combine(acc, haug, asd_blk, m_b, b, o, wa)


def kernel(x, edge_index, W1, a_src1, a_dst1, b1, W2, a_src2, a_dst2, b2):
    h1 = _gat_layer(x, edge_index, W1, a_src1, a_dst1, b1, 128, 144)
    h2 = _gat_layer(h1, edge_index, W2, a_src2, a_dst2, b2, 64, 80)
    return (h2, x)

# --- scband reference (transcript-rebuilt; emitter-appended) ---
"""Pipeline reference for scband-encoder-63273458205283 (READ-ONLY COPY).

The authoritative reference and input builder live on the scoring server;
editing this copy changes nothing except your own understanding.
"""

import jax, jax.numpy as jnp
import numpy as np

N = 10000
E = 320000
IN_CH = 128
OUT_CH = 64
HEADS = 2


def gat_layer(x, edge_index, W, a_src, a_dst, b, heads, out_ch):
    n = x.shape[0]
    src = edge_index[0]
    dst = edge_index[1]
    # PyG GATConv default: add self-loops
    loop = jnp.arange(n, dtype=src.dtype)
    src = jnp.concatenate([src, loop])
    dst = jnp.concatenate([dst, loop])
    h = (x @ W).reshape(n, heads, out_ch)
    alpha_src = jnp.sum(h * a_src, axis=-1)  # [n, heads]
    alpha_dst = jnp.sum(h * a_dst, axis=-1)  # [n, heads]
    alpha = alpha_src[src] + alpha_dst[dst]  # [e, heads]
    alpha = jax.nn.leaky_relu(alpha, 0.2)
    amax = jax.ops.segment_max(alpha, dst, num_segments=n)
    alpha = jnp.exp(alpha - amax[dst])
    denom = jax.ops.segment_sum(alpha, dst, num_segments=n)
    alpha = alpha / (denom[dst] + 1e-16)
    msg = h[src] * alpha[..., None]  # [e, heads, out_ch]
    out = jax.ops.segment_sum(msg, dst, num_segments=n)
    return out.reshape(n, heads * out_ch) + b


def setup_inputs(seed: int = 0):
    key = jax.random.key(seed)
    ks = jax.random.split(key, 12)
    x = jax.random.normal(ks[0], (N, IN_CH), dtype=jnp.float32)
    edge_index = jax.random.randint(ks[1], (2, E), 0, N, dtype=jnp.int32)
    # conv1: GATConv(in_channels, 2*out_channels, heads=HEADS)
    o1 = 2 * OUT_CH
    W1 = jax.random.normal(ks[2], (IN_CH, HEADS * o1), dtype=jnp.float32) * 0.05
    a_src1 = jax.random.normal(ks[3], (HEADS, o1), dtype=jnp.float32) * 0.05
    a_dst1 = jax.random.normal(ks[4], (HEADS, o1), dtype=jnp.float32) * 0.05
    b1 = jnp.zeros((HEADS * o1,), dtype=jnp.float32)
    # conv2: GATConv(2*n_head*out_channels, out_channels, heads=HEADS)
    in2 = HEADS * o1
    W2 = jax.random.normal(ks[5], (in2, HEADS * OUT_CH), dtype=jnp.float32) * 0.05
    a_src2 = jax.random.normal(ks[6], (HEADS, OUT_CH), dtype=jnp.float32) * 0.05
    a_dst2 = jax.random.normal(ks[7], (HEADS, OUT_CH), dtype=jnp.float32) * 0.05
    b2 = jnp.zeros((HEADS * OUT_CH,), dtype=jnp.float32)
    return {"x": x, "edge_index": edge_index, "W1": W1, "a_src1": a_src1,
            "a_dst1": a_dst1, "b1": b1, "W2": W2, "a_src2": a_src2,
            "a_dst2": a_dst2, "b2": b2}


def reference(x, edge_index, W1, a_src1, a_dst1, b1, W2, a_src2, a_dst2, b2):
    # feature_encoder with features=[] acts as identity passthrough
    encoded = x
    h1 = jax.nn.elu(gat_layer(encoded, edge_index, W1, a_src1, a_dst1, b1, HEADS, 2 * OUT_CH))
    h2 = jax.nn.elu(gat_layer(h1, edge_index, W2, a_src2, a_dst2, b2, HEADS, OUT_CH))
    return (h2, encoded)

if __name__ == "__main__":
    import jax
    _d = setup_inputs()
    print(jax.jit(kernel)(*tuple(_d.values())))

</pallas_src>

<mosaic_0001>
#map = affine_map<(d0, d1) -> (0, 0)>
#map1 = affine_map<(d0, d1) -> (0, 0, 0)>
module attributes {stable_mosaic.version = 14 : i64} {
  func.func @k(%arg0: i32, %arg1: i32, %arg2: memref<20000x144xf32, #tpu.memory_space<hbm>>, %arg3: memref<2x320000xi32, #tpu.memory_space<hbm>>, %arg4: memref<2x2x10000xf32, #tpu.memory_space<hbm>>, %arg5: memref<2x16xf32, #tpu.memory_space<hbm>>, %arg6: memref<10112x144xf32, #tpu.memory_space<hbm>>, %arg7: memref<20224x144xf32, #tpu.memory_space<hbm>>, %arg8: memref<10000xf32, #tpu.memory_space<vmem>>, %arg9: memref<10000xf32, #tpu.memory_space<vmem>>, %arg10: memref<16xf32, #tpu.memory_space<vmem>>, %arg11: memref<128xi32, #tpu.memory_space<vmem>>, %arg12: memref<128xi32, #tpu.memory_space<vmem>>, %arg13: memref<128xi32, #tpu.memory_space<vmem>>, %arg14: memref<128xf32, #tpu.memory_space<vmem>>, %arg15: memref<128x144xf32, #tpu.memory_space<vmem>>, %arg16: memref<10112x144xf32, #tpu.memory_space<vmem_shared>>, %arg17: memref<!tpu.dma_semaphore, #tpu.memory_space<semaphore_mem>>) attributes {dimension_semantics = [#tpu.dimension_semantics<core_parallel>, #tpu.dimension_semantics<subcore_parallel>], iteration_bounds = array<i64: 2, 16>, scalar_prefetch = 0 : i64, scratch_operands = 10 : i64, tpu.core_type = #tpu.core_type<sc_vector_subcore>, window_params = [{transform_indices = #map}, {transform_indices = #map}, {transform_indices = #map1}, {transform_indices = #map}, {transform_indices = #map}, {transform_indices = #map}]} {
    %run_scoped3A = arith.constant 0 : i32
    "tpu.region"() ({
      %run_scoped3A_19 = tpu.sem_alloc : memref<!tpu.dma_semaphore, #tpu.memory_space<semaphore_mem>>
      %dma_start3A = arith.constant 0 : i32
      %dma_start3A_20 = tpu.memref_slice %arg4[%arg0, %run_scoped3A, %dma_start3A] : memref<2x2x10000xf32, #tpu.memory_space<hbm>> -> memref<1x1x10000xf32, #tpu.memory_space<hbm>>
      %dma_start3A_21 = tpu.memref_squeeze %dma_start3A_20 : memref<1x1x10000xf32, #tpu.memory_space<hbm>> -> memref<10000xf32, #tpu.memory_space<hbm>>
      %dma_start3A_22 = arith.constant 0 : i32
      %dma_start3A_23 = tpu.memref_slice %arg4[%arg0, %run_scoped3A, %dma_start3A_22] : memref<2x2x10000xf32, #tpu.memory_space<hbm>> -> memref<1x1x10000xf32, #tpu.memory_space<hbm>>
      %dma_start3A_24 = tpu.memref_squeeze %dma_start3A_23 : memref<1x1x10000xf32, #tpu.memory_space<hbm>> -> memref<10000xf32, #tpu.memory_space<hbm>>
      tpu.enqueue_dma source(%dma_start3A_24 : memref<10000xf32, #tpu.memory_space<hbm>>) target(%arg8 : memref<10000xf32, #tpu.memory_space<vmem>>) target_semaphore(%run_scoped3A_19 : memref<!tpu.dma_semaphore, #tpu.memory_space<semaphore_mem>>)
      %dma_wait3A = arith.constant 0 : i32
      %dma_wait3A_25 = tpu.memref_slice %arg4[%arg0, %run_scoped3A, %dma_wait3A] : memref<2x2x10000xf32, #tpu.memory_space<hbm>> -> memref<1x1x10000xf32, #tpu.memory_space<hbm>>
      %dma_wait3A_26 = tpu.memref_squeeze %dma_wait3A_25 : memref<1x1x10000xf32, #tpu.memory_space<hbm>> -> memref<10000xf32, #tpu.memory_space<hbm>>
      %dma_wait3A_27 = arith.constant 0 : i32
      %dma_wait3A_28 = tpu.memref_slice %arg4[%arg0, %run_scoped3A, %dma_wait3A_27] : memref<2x2x10000xf32, #tpu.memory_space<hbm>> -> memref<1x1x10000xf32, #tpu.memory_space<hbm>>
      %dma_wait3A_29 = tpu.memref_squeeze %dma_wait3A_28 : memref<1x1x10000xf32, #tpu.memory_space<hbm>> -> memref<10000xf32, #tpu.memory_space<hbm>>
      tpu.wait_dma2 semaphore(%run_scoped3A_19 : memref<!tpu.dma_semaphore, #tpu.memory_space<semaphore_mem>>) src(%dma_wait3A_29 : memref<10000xf32, #tpu.memory_space<hbm>>) dst(%arg8 : memref<10000xf32, #tpu.memory_space<vmem>>)
      tpu.yield
    }) : () -> ()
    %run_scoped3A_0 = arith.constant 1 : i32
    "tpu.region"() ({
      %run_scoped3A_19 = tpu.sem_alloc : memref<!tpu.dma_semaphore, #tpu.memory_space<semaphore_mem>>
      %dma_start3A = arith.constant 0 : i32
      %dma_start3A_20 = tpu.memref_slice %arg4[%arg0, %run_scoped3A_0, %dma_start3A] : memref<2x2x10000xf32, #tpu.memory_space<hbm>> -> memref<1x1x10000xf32, #tpu.memory_space<hbm>>
      %dma_start3A_21 = tpu.memref_squeeze %dma_start3A_20 : memref<1x1x10000xf32, #tpu.memory_space<hbm>> -> memref<10000xf32, #tpu.memory_space<hbm>>
      %dma_start3A_22 = arith.constant 0 : i32
      %dma_start3A_23 = tpu.memref_slice %arg4[%arg0, %run_scoped3A_0, %dma_start3A_22] : memref<2x2x10000xf32, #tpu.memory_space<hbm>> -> memref<1x1x10000xf32, #tpu.memory_space<hbm>>
      %dma_start3A_24 = tpu.memref_squeeze %dma_start3A_23 : memref<1x1x10000xf32, #tpu.memory_space<hbm>> -> memref<10000xf32, #tpu.memory_space<hbm>>
      tpu.enqueue_dma source(%dma_start3A_24 : memref<10000xf32, #tpu.memory_space<hbm>>) target(%arg9 : memref<10000xf32, #tpu.memory_space<vmem>>) target_semaphore(%run_scoped3A_19 : memref<!tpu.dma_semaphore, #tpu.memory_space<semaphore_mem>>)
      %dma_wait3A = arith.constant 0 : i32
      %dma_wait3A_25 = tpu.memref_slice %arg4[%arg0, %run_scoped3A_0, %dma_wait3A] : memref<2x2x10000xf32, #tpu.memory_space<hbm>> -> memref<1x1x10000xf32, #tpu.memory_space<hbm>>
      %dma_wait3A_26 = tpu.memref_squeeze %dma_wait3A_25 : memref<1x1x10000xf32, #tpu.memory_space<hbm>> -> memref<10000xf32, #tpu.memory_space<hbm>>
      %dma_wait3A_27 = arith.constant 0 : i32
      %dma_wait3A_28 = tpu.memref_slice %arg4[%arg0, %run_scoped3A_0, %dma_wait3A_27] : memref<2x2x10000xf32, #tpu.memory_space<hbm>> -> memref<1x1x10000xf32, #tpu.memory_space<hbm>>
      %dma_wait3A_29 = tpu.memref_squeeze %dma_wait3A_28 : memref<1x1x10000xf32, #tpu.memory_space<hbm>> -> memref<10000xf32, #tpu.memory_space<hbm>>
      tpu.wait_dma2 semaphore(%run_scoped3A_19 : memref<!tpu.dma_semaphore, #tpu.memory_space<semaphore_mem>>) src(%dma_wait3A_29 : memref<10000xf32, #tpu.memory_space<hbm>>) dst(%arg9 : memref<10000xf32, #tpu.memory_space<vmem>>)
      tpu.yield
    }) : () -> ()
    "tpu.region"() ({
      %run_scoped3A_19 = tpu.sem_alloc : memref<!tpu.dma_semaphore, #tpu.memory_space<semaphore_mem>>
      %dma_start3A = arith.constant 0 : i32
      %dma_start3A_20 = tpu.memref_slice %arg5[%arg0, %dma_start3A] : memref<2x16xf32, #tpu.memory_space<hbm>> -> memref<1x16xf32, #tpu.memory_space<hbm>>
      %dma_start3A_21 = tpu.memref_squeeze %dma_start3A_20 : memref<1x16xf32, #tpu.memory_space<hbm>> -> memref<16xf32, #tpu.memory_space<hbm>>
      %dma_start3A_22 = arith.constant 0 : i32
      %dma_start3A_23 = tpu.memref_slice %arg5[%arg0, %dma_start3A_22] : memref<2x16xf32, #tpu.memory_space<hbm>> -> memref<1x16xf32, #tpu.memory_space<hbm>>
      %dma_start3A_24 = tpu.memref_squeeze %dma_start3A_23 : memref<1x16xf32, #tpu.memory_space<hbm>> -> memref<16xf32, #tpu.memory_space<hbm>>
      tpu.enqueue_dma source(%dma_start3A_24 : memref<16xf32, #tpu.memory_space<hbm>>) target(%arg10 : memref<16xf32, #tpu.memory_space<vmem>>) target_semaphore(%run_scoped3A_19 : memref<!tpu.dma_semaphore, #tpu.memory_space<semaphore_mem>>)
      %dma_wait3A = arith.constant 0 : i32
      %dma_wait3A_25 = tpu.memref_slice %arg5[%arg0, %dma_wait3A] : memref<2x16xf32, #tpu.memory_space<hbm>> -> memref<1x16xf32, #tpu.memory_space<hbm>>
      %dma_wait3A_26 = tpu.memref_squeeze %dma_wait3A_25 : memref<1x16xf32, #tpu.memory_space<hbm>> -> memref<16xf32, #tpu.memory_space<hbm>>
      %dma_wait3A_27 = arith.constant 0 : i32
      %dma_wait3A_28 = tpu.memref_slice %arg5[%arg0, %dma_wait3A_27] : memref<2x16xf32, #tpu.memory_space<hbm>> -> memref<1x16xf32, #tpu.memory_space<hbm>>
      %dma_wait3A_29 = tpu.memref_squeeze %dma_wait3A_28 : memref<1x16xf32, #tpu.memory_space<hbm>> -> memref<16xf32, #tpu.memory_space<hbm>>
      tpu.wait_dma2 semaphore(%run_scoped3A_19 : memref<!tpu.dma_semaphore, #tpu.memory_space<semaphore_mem>>) src(%dma_wait3A_29 : memref<16xf32, #tpu.memory_space<hbm>>) dst(%arg10 : memref<16xf32, #tpu.memory_space<vmem>>)
      tpu.yield
    }) : () -> ()
    %mul3A = arith.constant 632 : i32
    %mul3A_1 = arith.muli %arg1, %mul3A : i32
    %mul3A_2 = arith.constant 632 : i32
    %mul3A_3 = arith.muli %arg1, %mul3A_2 : i32
    "tpu.region"() ({
      %run_scoped3A_19 = tpu.sem_alloc : memref<!tpu.dma_semaphore, #tpu.memory_space<semaphore_mem>>
      %dma_start3A = arith.constant 0 : i32
      %dma_start3A_20 = tpu.memref_slice %arg16[%mul3A_3, %dma_start3A] : memref<10112x144xf32, #tpu.memory_space<vmem_shared>> -> memref<632x144xf32, #tpu.memory_space<vmem_shared>>
      %dma_start3A_21 = arith.constant 0 : i32
      %dma_start3A_22 = tpu.memref_slice %arg6[%mul3A_1, %dma_start3A_21] : memref<10112x144xf32, #tpu.memory_space<hbm>> -> memref<632x144xf32, #tpu.memory_space<hbm>>
      tpu.enqueue_dma source(%dma_start3A_22 : memref<632x144xf32, #tpu.memory_space<hbm>>) target(%dma_start3A_20 : memref<632x144xf32, #tpu.memory_space<vmem_shared>>) target_semaphore(%run_scoped3A_19 : memref<!tpu.dma_semaphore, #tpu.memory_space<semaphore_mem>>)
      %dma_wait3A = arith.constant 0 : i32
      %dma_wait3A_23 = tpu.memref_slice %arg16[%mul3A_3, %dma_wait3A] : memref<10112x144xf32, #tpu.memory_space<vmem_shared>> -> memref<632x144xf32, #tpu.memory_space<vmem_shared>>
      %dma_wait3A_24 = arith.constant 0 : i32
      %dma_wait3A_25 = tpu.memref_slice %arg6[%mul3A_1, %dma_wait3A_24] : memref<10112x144xf32, #tpu.memory_space<hbm>> -> memref<632x144xf32, #tpu.memory_space<hbm>>
      tpu.wait_dma2 semaphore(%run_scoped3A_19 : memref<!tpu.dma_semaphore, #tpu.memory_space<semaphore_mem>>) src(%dma_wait3A_25 : memref<632x144xf32, #tpu.memory_space<hbm>>) dst(%dma_wait3A_23 : memref<632x144xf32, #tpu.memory_space<vmem_shared>>)
      tpu.yield
    }) : () -> ()
    %barrier3A = arith.constant 0 : index
    tpu.barrier barrier_id(%barrier3A)
    %get3A = arith.constant 0 : index
    %get3A_4 = tpu.vector_load %arg10[%get3A] {strides = array<i32>} : memref<16xf32, #tpu.memory_space<vmem>>, vector<16xf32>,
    %mul3A_5 = arith.constant 10000 : i32
    %mul3A_6 = arith.muli %arg0, %mul3A_5 : i32
    %mul3A_7 = arith.constant 10112 : i32
    %mul3A_8 = arith.muli %arg0, %mul3A_7 : i32
    %scan3A = arith.constant 0 : i32
    %scan3A_9 = arith.constant 0 : i32
    %scan3A_10 = arith.constant 157 : i32
    %scan3A_11 = arith.addi %scan3A_9, %scan3A_10 : i32
    %scan3A_12 = arith.constant 1 : i32
    scf.for %scan3A_19 = %scan3A_9 to %scan3A_11 step %scan3A_12  : i32 {
      %mul3A_20 = arith.constant 16 : i32
      %mul3A_21 = arith.muli %scan3A_19, %mul3A_20 : i32
      %add3A_22 = arith.addi %arg1, %mul3A_21 : i32
      %lt3A = arith.constant 2500 : i32
      %lt3A_23 = arith.cmpi slt, %add3A_22, %lt3A : i32
      %convert_element_type3A = arith.extui %lt3A_23 : i1 to i32
      %cond3A = arith.constant 0 : i32
      %cond3A_24 = arith.cmpi ne, %convert_element_type3A, %cond3A : i32
      scf.if %cond3A_24 {
        %mul3A_25 = arith.constant 128 : i32
        %mul3A_26 = arith.muli %add3A_22, %mul3A_25 : i32
        %run_scoped3A_27 = arith.constant 0 : i32
        "tpu.region"() ({
          %run_scoped3A_186 = tpu.sem_alloc : memref<!tpu.dma_semaphore, #tpu.memory_space<semaphore_mem>>
          %dma_start3A_187 = tpu.memref_slice %arg3[%run_scoped3A_27, %mul3A_26] : memref<2x320000xi32, #tpu.memory_space<hbm>> -> memref<1x128xi32, #tpu.memory_space<hbm>>
          %dma_start3A_188 = tpu.memref_squeeze %dma_start3A_187 : memref<1x128xi32, #tpu.memory_space<hbm>> -> memref<128xi32, #tpu.memory_space<hbm>>
          %dma_start3A_189 = tpu.memref_slice %arg3[%run_scoped3A_27, %mul3A_26] : memref<2x320000xi32, #tpu.memory_space<hbm>> -> memref<1x128xi32, #tpu.memory_space<hbm>>
          %dma_start3A_190 = tpu.memref_squeeze %dma_start3A_189 : memref<1x128xi32, #tpu.memory_space<hbm>> -> memref<128xi32, #tpu.memory_space<hbm>>
          tpu.enqueue_dma source(%dma_start3A_190 : memref<128xi32, #tpu.memory_space<hbm>>) target(%arg11 : memref<128xi32, #tpu.memory_space<vmem>>) target_semaphore(%run_scoped3A_186 : memref<!tpu.dma_semaphore, #tpu.memory_space<semaphore_mem>>)
          %dma_wait3A_191 = tpu.memref_slice %arg3[%run_scoped3A_27, %mul3A_26] : memref<2x320000xi32, #tpu.memory_space<hbm>> -> memref<1x128xi32, #tpu.memory_space<hbm>>
          %dma_wait3A_192 = tpu.memref_squeeze %dma_wait3A_191 : memref<1x128xi32, #tpu.memory_space<hbm>> -> memref<128xi32, #tpu.memory_space<hbm>>
          %dma_wait3A_193 = tpu.memref_slice %arg3[%run_scoped3A_27, %mul3A_26] : memref<2x320000xi32, #tpu.memory_space<hbm>> -> memref<1x128xi32, #tpu.memory_space<hbm>>
          %dma_wait3A_194 = tpu.memref_squeeze %dma_wait3A_193 : memref<1x128xi32, #tpu.memory_space<hbm>> -> memref<128xi32, #tpu.memory_space<hbm>>
          tpu.wait_dma2 semaphore(%run_scoped3A_186 : memref<!tpu.dma_semaphore, #tpu.memory_space<semaphore_mem>>) src(%dma_wait3A_194 : memref<128xi32, #tpu.memory_space<hbm>>) dst(%arg11 : memref<128xi32, #tpu.memory_space<vmem>>)
          tpu.yield
        }) : () -> ()
        %run_scoped3A_28 = arith.constant 1 : i32
        "tpu.region"() ({
          %run_scoped3A_186 = tpu.sem_alloc : memref<!tpu.dma_semaphore, #tpu.memory_space<semaphore_mem>>
          %dma_start3A_187 = tpu.memref_slice %arg3[%run_scoped3A_28, %mul3A_26] : memref<2x320000xi32, #tpu.memory_space<hbm>> -> memref<1x128xi32, #tpu.memory_space<hbm>>
          %dma_start3A_188 = tpu.memref_squeeze %dma_start3A_187 : memref<1x128xi32, #tpu.memory_space<hbm>> -> memref<128xi32, #tpu.memory_space<hbm>>
          %dma_start3A_189 = tpu.memref_slice %arg3[%run_scoped3A_28, %mul3A_26] : memref<2x320000xi32, #tpu.memory_space<hbm>> -> memref<1x128xi32, #tpu.memory_space<hbm>>
          %dma_start3A_190 = tpu.memref_squeeze %dma_start3A_189 : memref<1x128xi32, #tpu.memory_space<hbm>> -> memref<128xi32, #tpu.memory_space<hbm>>
          tpu.enqueue_dma source(%dma_start3A_190 : memref<128xi32, #tpu.memory_space<hbm>>) target(%arg12 : memref<128xi32, #tpu.memory_space<vmem>>) target_semaphore(%run_scoped3A_186 : memref<!tpu.dma_semaphore, #tpu.memory_space<semaphore_mem>>)
          %dma_wait3A_191 = tpu.memref_slice %arg3[%run_scoped3A_28, %mul3A_26] : memref<2x320000xi32, #tpu.memory_space<hbm>> -> memref<1x128xi32, #tpu.memory_space<hbm>>
          %dma_wait3A_192 = tpu.memref_squeeze %dma_wait3A_191 : memref<1x128xi32, #tpu.memory_space<hbm>> -> memref<128xi32, #tpu.memory_space<hbm>>
          %dma_wait3A_193 = tpu.memref_slice %arg3[%run_scoped3A_28, %mul3A_26] : memref<2x320000xi32, #tpu.memory_space<hbm>> -> memref<1x128xi32, #tpu.memory_space<hbm>>
          %dma_wait3A_194 = tpu.memref_squeeze %dma_wait3A_193 : memref<1x128xi32, #tpu.memory_space<hbm>> -> memref<128xi32, #tpu.memory_space<hbm>>
          tpu.wait_dma2 semaphore(%run_scoped3A_186 : memref<!tpu.dma_semaphore, #tpu.memory_space<semaphore_mem>>) src(%dma_wait3A_194 : memref<128xi32, #tpu.memory_space<hbm>>) dst(%arg12 : memref<128xi32, #tpu.memory_space<vmem>>)
          tpu.yield
        }) : () -> ()
        %get3A_29 = arith.constant 0 : index
        %get3A_30 = tpu.vector_load %arg11[%get3A_29] {strides = array<i32>} : memref<128xi32, #tpu.memory_space<vmem>>, vector<16xi32>,
        %get3A_31 = arith.constant 0 : index
        %get3A_32 = tpu.vector_load %arg12[%get3A_31] {strides = array<i32>} : memref<128xi32, #tpu.memory_space<vmem>>, vector<16xi32>,
        %gather3A = tpu.vector_load_idx %arg8[%get3A_30] : memref<10000xf32, #tpu.memory_space<vmem>>[vector<16xi32>], vector<16xf32>,
        %gather3A_33 = tpu.vector_load_idx %arg9[%get3A_32] : memref<10000xf32, #tpu.memory_space<vmem>>[vector<16xi32>], vector<16xf32>,
        %add3A_34 = arith.addf %gather3A, %gather3A_33 : vector<16xf32>
        %mul3A_35 = arith.constant 2.000000e-01 : f32
        %mul3A_36 = vector.broadcast %mul3A_35 : f32 to vector<16xf32>
        %mul3A_37 = arith.mulf %mul3A_36, %add3A_34 : vector<16xf32>
        %max3A = arith.maximumf %add3A_34, %mul3A_37 : vector<16xf32>
        %sub3A = arith.subf %max3A, %get3A_4 : vector<16xf32>
        %exp3A = math.exp %sub3A : vector<16xf32>
        %swap3A = arith.constant 0 : index
        %swap3A_38 = tpu.vector_load %arg14[%swap3A] {strides = array<i32>} : memref<128xf32, #tpu.memory_space<vmem>>, vector<16xf32>,
        tpu.vector_store %arg14[%swap3A], %exp3A {strides = array<i32>} : memref<128xf32, #tpu.memory_space<vmem>>, vector<16xf32>,
        %add3A_39 = vector.broadcast %mul3A_6 : i32 to vector<16xi32>
        %add3A_40 = arith.addi %get3A_30, %add3A_39 : vector<16xi32>
        %swap3A_41 = arith.constant 0 : index
        %swap3A_42 = tpu.vector_load %arg13[%swap3A_41] {strides = array<i32>} : memref<128xi32, #tpu.memory_space<vmem>>, vector<16xi32>,
        tpu.vector_store %arg13[%swap3A_41], %add3A_40 {strides = array<i32>} : memref<128xi32, #tpu.memory_space<vmem>>, vector<16xi32>,
        %get3A_43 = arith.constant 16 : index
        %get3A_44 = tpu.vector_load %arg11[%get3A_43] {strides = array<i32>} : memref<128xi32, #tpu.memory_space<vmem>>, vector<16xi32>,
        %get3A_45 = arith.constant 16 : index
        %get3A_46 = tpu.vector_load %arg12[%get3A_45] {strides = array<i32>} : memref<128xi32, #tpu.memory_space<vmem>>, vector<16xi32>,
        %gather3A_47 = tpu.vector_load_idx %arg8[%get3A_44] : memref<10000xf32, #tpu.memory_space<vmem>>[vector<16xi32>], vector<16xf32>,
        %gather3A_48 = tpu.vector_load_idx %arg9[%get3A_46] : memref<10000xf32, #tpu.memory_space<vmem>>[vector<16xi32>], vector<16xf32>,
        %add3A_49 = arith.addf %gather3A_47, %gather3A_48 : vector<16xf32>
        %mul3A_50 = arith.constant 2.000000e-01 : f32
        %mul3A_51 = vector.broadcast %mul3A_50 : f32 to vector<16xf32>
        %mul3A_52 = arith.mulf %mul3A_51, %add3A_49 : vector<16xf32>
        %max3A_53 = arith.maximumf %add3A_49, %mul3A_52 : vector<16xf32>
        %sub3A_54 = arith.subf %max3A_53, %get3A_4 : vector<16xf32>
        %exp3A_55 = math.exp %sub3A_54 : vector<16xf32>
        %swap3A_56 = arith.constant 16 : index
        %swap3A_57 = tpu.vector_load %arg14[%swap3A_56] {strides = array<i32>} : memref<128xf32, #tpu.memory_space<vmem>>, vector<16xf32>,
        tpu.vector_store %arg14[%swap3A_56], %exp3A_55 {strides = array<i32>} : memref<128xf32, #tpu.memory_space<vmem>>, vector<16xf32>,
        %add3A_58 = vector.broadcast %mul3A_6 : i32 to vector<16xi32>
        %add3A_59 = arith.addi %get3A_44, %add3A_58 : vector<16xi32>
        %swap3A_60 = arith.constant 16 : index
        %swap3A_61 = tpu.vector_load %arg13[%swap3A_60] {strides = array<i32>} : memref<128xi32, #tpu.memory_space<vmem>>, vector<16xi32>,
        tpu.vector_store %arg13[%swap3A_60], %add3A_59 {strides = array<i32>} : memref<128xi32, #tpu.memory_space<vmem>>, vector<16xi32>,
        %get3A_62 = arith.constant 32 : index
        %get3A_63 = tpu.vector_load %arg11[%get3A_62] {strides = array<i32>} : memref<128xi32, #tpu.memory_space<vmem>>, vector<16xi32>,
        %get3A_64 = arith.constant 32 : index
        %get3A_65 = tpu.vector_load %arg12[%get3A_64] {strides = array<i32>} : memref<128xi32, #tpu.memory_space<vmem>>, vector<16xi32>,
        %gather3A_66 = tpu.vector_load_idx %arg8[%get3A_63] : memref<10000xf32, #tpu.memory_space<vmem>>[vector<16xi32>], vector<16xf32>,
        %gather3A_67 = tpu.vector_load_idx %arg9[%get3A_65] : memref<10000xf32, #tpu.memory_space<vmem>>[vector<16xi32>], vector<16xf32>,
        %add3A_68 = arith.addf %gather3A_66, %gather3A_67 : vector<16xf32>
        %mul3A_69 = arith.constant 2.000000e-01 : f32
        %mul3A_70 = vector.broadcast %mul3A_69 : f32 to vector<16xf32>
        %mul3A_71 = arith.mulf %mul3A_70, %add3A_68 : vector<16xf32>
        %max3A_72 = arith.maximumf %add3A_68, %mul3A_71 : vector<16xf32>
        %sub3A_73 = arith.subf %max3A_72, %get3A_4 : vector<16xf32>
        %exp3A_74 = math.exp %sub3A_73 : vector<16xf32>
        %swap3A_75 = arith.constant 32 : index
        %swap3A_76 = tpu.vector_load %arg14[%swap3A_75] {strides = array<i32>} : memref<128xf32, #tpu.memory_space<vmem>>, vector<16xf32>,
        tpu.vector_store %arg14[%swap3A_75], %exp3A_74 {strides = array<i32>} : memref<128xf32, #tpu.memory_space<vmem>>, vector<16xf32>,
        %add3A_77 = vector.broadcast %mul3A_6 : i32 to vector<16xi32>
        %add3A_78 = arith.addi %get3A_63, %add3A_77 : vector<16xi32>
        %swap3A_79 = arith.constant 32 : index
        %swap3A_80 = tpu.vector_load %arg13[%swap3A_79] {strides = array<i32>} : memref<128xi32, #tpu.memory_space<vmem>>, vector<16xi32>,
        tpu.vector_store %arg13[%swap3A_79], %add3A_78 {strides = array<i32>} : memref<128xi32, #tpu.memory_space<vmem>>, vector<16xi32>,
        %get3A_81 = arith.constant 48 : index
        %get3A_82 = tpu.vector_load %arg11[%get3A_81] {strides = array<i32>} : memref<128xi32, #tpu.memory_space<vmem>>, vector<16xi32>,
        %get3A_83 = arith.constant 48 : index
        %get3A_84 = tpu.vector_load %arg12[%get3A_83] {strides = array<i32>} : memref<128xi32, #tpu.memory_space<vmem>>, vector<16xi32>,
        %gather3A_85 = tpu.vector_load_idx %arg8[%get3A_82] : memref<10000xf32, #tpu.memory_space<vmem>>[vector<16xi32>], vector<16xf32>,
        %gather3A_86 = tpu.vector_load_idx %arg9[%get3A_84] : memref<10000xf32, #tpu.memory_space<vmem>>[vector<16xi32>], vector<16xf32>,
        %add3A_87 = arith.addf %gather3A_85, %gather3A_86 : vector<16xf32>
        %mul3A_88 = arith.constant 2.000000e-01 : f32
        %mul3A_89 = vector.broadcast %mul3A_88 : f32 to vector<16xf32>
        %mul3A_90 = arith.mulf %mul3A_89, %add3A_87 : vector<16xf32>
        %max3A_91 = arith.maximumf %add3A_87, %mul3A_90 : vector<16xf32>
        %sub3A_92 = arith.subf %max3A_91, %get3A_4 : vector<16xf32>
        %exp3A_93 = math.exp %sub3A_92 : vector<16xf32>
        %swap3A_94 = arith.constant 48 : index
        %swap3A_95 = tpu.vector_load %arg14[%swap3A_94] {strides = array<i32>} : memref<128xf32, #tpu.memory_space<vmem>>, vector<16xf32>,
        tpu.vector_store %arg14[%swap3A_94], %exp3A_93 {strides = array<i32>} : memref<128xf32, #tpu.memory_space<vmem>>, vector<16xf32>,
        %add3A_96 = vector.broadcast %mul3A_6 : i32 to vector<16xi32>
        %add3A_97 = arith.addi %get3A_82, %add3A_96 : vector<16xi32>
        %swap3A_98 = arith.constant 48 : index
        %swap3A_99 = tpu.vector_load %arg13[%swap3A_98] {strides = array<i32>} : memref<128xi32, #tpu.memory_space<vmem>>, vector<16xi32>,
        tpu.vector_store %arg13[%swap3A_98], %add3A_97 {strides = array<i32>} : memref<128xi32, #tpu.memory_space<vmem>>, vector<16xi32>,
        %get3A_100 = arith.constant 64 : index
        %get3A_101 = tpu.vector_load %arg11[%get3A_100] {strides = array<i32>} : memref<128xi32, #tpu.memory_space<vmem>>, vector<16xi32>,
        %get3A_102 = arith.constant 64 : index
        %get3A_103 = tpu.vector_load %arg12[%get3A_102] {strides = array<i32>} : memref<128xi32, #tpu.memory_space<vmem>>, vector<16xi32>,
        %gather3A_104 = tpu.vector_load_idx %arg8[%get3A_101] : memref<10000xf32, #tpu.memory_space<vmem>>[vector<16xi32>], vector<16xf32>,
        %gather3A_105 = tpu.vector_load_idx %arg9[%get3A_103] : memref<10000xf32, #tpu.memory_space<vmem>>[vector<16xi32>], vector<16xf32>,
        %add3A_106 = arith.addf %gather3A_104, %gather3A_105 : vector<16xf32>
        %mul3A_107 = arith.constant 2.000000e-01 : f32
        %mul3A_108 = vector.broadcast %mul3A_107 : f32 to vector<16xf32>
        %mul3A_109 = arith.mulf %mul3A_108, %add3A_106 : vector<16xf32>
        %max3A_110 = arith.maximumf %add3A_106, %mul3A_109 : vector<16xf32>
        %sub3A_111 = arith.subf %max3A_110, %get3A_4 : vector<16xf32>
        %exp3A_112 = math.exp %sub3A_111 : vector<16xf32>
        %swap3A_113 = arith.constant 64 : index
        %swap3A_114 = tpu.vector_load %arg14[%swap3A_113] {strides = array<i32>} : memref<128xf32, #tpu.memory_space<vmem>>, vector<16xf32>,
        tpu.vector_store %arg14[%swap3A_113], %exp3A_112 {strides = array<i32>} : memref<128xf32, #tpu.memory_space<vmem>>, vector<16xf32>,
        %add3A_115 = vector.broadcast %mul3A_6 : i32 to vector<16xi32>
        %add3A_116 = arith.addi %get3A_101, %add3A_115 : vector<16xi32>
        %swap3A_117 = arith.constant 64 : index
        %swap3A_118 = tpu.vector_load %arg13[%swap3A_117] {strides = array<i32>} : memref<128xi32, #tpu.memory_space<vmem>>, vector<16xi32>,
        tpu.vector_store %arg13[%swap3A_117], %add3A_116 {strides = array<i32>} : memref<128xi32, #tpu.memory_space<vmem>>, vector<16xi32>,
        %get3A_119 = arith.constant 80 : index
        %get3A_120 = tpu.vector_load %arg11[%get3A_119] {strides = array<i32>} : memref<128xi32, #tpu.memory_space<vmem>>, vector<16xi32>,
        %get3A_121 = arith.constant 80 : index
        %get3A_122 = tpu.vector_load %arg12[%get3A_121] {strides = array<i32>} : memref<128xi32, #tpu.memory_space<vmem>>, vector<16xi32>,
        %gather3A_123 = tpu.vector_load_idx %arg8[%get3A_120] : memref<10000xf32, #tpu.memory_space<vmem>>[vector<16xi32>], vector<16xf32>,
        %gather3A_124 = tpu.vector_load_idx %arg9[%get3A_122] : memref<10000xf32, #tpu.memory_space<vmem>>[vector<16xi32>], vector<16xf32>,
        %add3A_125 = arith.addf %gather3A_123, %gather3A_124 : vector<16xf32>
        %mul3A_126 = arith.constant 2.000000e-01 : f32
        %mul3A_127 = vector.broadcast %mul3A_126 : f32 to vector<16xf32>
        %mul3A_128 = arith.mulf %mul3A_127, %add3A_125 : vector<16xf32>
        %max3A_129 = arith.maximumf %add3A_125, %mul3A_128 : vector<16xf32>
        %sub3A_130 = arith.subf %max3A_129, %get3A_4 : vector<16xf32>
        %exp3A_131 = math.exp %sub3A_130 : vector<16xf32>
        %swap3A_132 = arith.constant 80 : index
        %swap3A_133 = tpu.vector_load %arg14[%swap3A_132] {strides = array<i32>} : memref<128xf32, #tpu.memory_space<vmem>>, vector<16xf32>,
        tpu.vector_store %arg14[%swap3A_132], %exp3A_131 {strides = array<i32>} : memref<128xf32, #tpu.memory_space<vmem>>, vector<16xf32>,
        %add3A_134 = vector.broadcast %mul3A_6 : i32 to vector<16xi32>
        %add3A_135 = arith.addi %get3A_120, %add3A_134 : vector<16xi32>
        %swap3A_136 = arith.constant 80 : index
        %swap3A_137 = tpu.vector_load %arg13[%swap3A_136] {strides = array<i32>} : memref<128xi32, #tpu.memory_space<vmem>>, vector<16xi32>,
        tpu.vector_store %arg13[%swap3A_136], %add3A_135 {strides = array<i32>} : memref<128xi32, #tpu.memory_space<vmem>>, vector<16xi32>,
        %get3A_138 = arith.constant 96 : index
        %get3A_139 = tpu.vector_load %arg11[%get3A_138] {strides = array<i32>} : memref<128xi32, #tpu.memory_space<vmem>>, vector<16xi32>,
        %get3A_140 = arith.constant 96 : index
        %get3A_141 = tpu.vector_load %arg12[%get3A_140] {strides = array<i32>} : memref<128xi32, #tpu.memory_space<vmem>>, vector<16xi32>,
        %gather3A_142 = tpu.vector_load_idx %arg8[%get3A_139] : memref<10000xf32, #tpu.memory_space<vmem>>[vector<16xi32>], vector<16xf32>,
        %gather3A_143 = tpu.vector_load_idx %arg9[%get3A_141] : memref<10000xf32, #tpu.memory_space<vmem>>[vector<16xi32>], vector<16xf32>,
        %add3A_144 = arith.addf %gather3A_142, %gather3A_143 : vector<16xf32>
        %mul3A_145 = arith.constant 2.000000e-01 : f32
        %mul3A_146 = vector.broadcast %mul3A_145 : f32 to vector<16xf32>
        %mul3A_147 = arith.mulf %mul3A_146, %add3A_144 : vector<16xf32>
        %max3A_148 = arith.maximumf %add3A_144, %mul3A_147 : vector<16xf32>
        %sub3A_149 = arith.subf %max3A_148, %get3A_4 : vector<16xf32>
        %exp3A_150 = math.exp %sub3A_149 : vector<16xf32>
        %swap3A_151 = arith.constant 96 : index
        %swap3A_152 = tpu.vector_load %arg14[%swap3A_151] {strides = array<i32>} : memref<128xf32, #tpu.memory_space<vmem>>, vector<16xf32>,
        tpu.vector_store %arg14[%swap3A_151], %exp3A_150 {strides = array<i32>} : memref<128xf32, #tpu.memory_space<vmem>>, vector<16xf32>,
        %add3A_153 = vector.broadcast %mul3A_6 : i32 to vector<16xi32>
        %add3A_154 = arith.addi %get3A_139, %add3A_153 : vector<16xi32>
        %swap3A_155 = arith.constant 96 : index
        %swap3A_156 = tpu.vector_load %arg13[%swap3A_155] {strides = array<i32>} : memref<128xi32, #tpu.memory_space<vmem>>, vector<16xi32>,
        tpu.vector_store %arg13[%swap3A_155], %add3A_154 {strides = array<i32>} : memref<128xi32, #tpu.memory_space<vmem>>, vector<16xi32>,
        %get3A_157 = arith.constant 112 : index
        %get3A_158 = tpu.vector_load %arg11[%get3A_157] {strides = array<i32>} : memref<128xi32, #tpu.memory_space<vmem>>, vector<16xi32>,
        %get3A_159 = arith.constant 112 : index
        %get3A_160 = tpu.vector_load %arg12[%get3A_159] {strides = array<i32>} : memref<128xi32, #tpu.memory_space<vmem>>, vector<16xi32>,
        %gather3A_161 = tpu.vector_load_idx %arg8[%get3A_158] : memref<10000xf32, #tpu.memory_space<vmem>>[vector<16xi32>], vector<16xf32>,
        %gather3A_162 = tpu.vector_load_idx %arg9[%get3A_160] : memref<10000xf32, #tpu.memory_space<vmem>>[vector<16xi32>], vector<16xf32>,
        %add3A_163 = arith.addf %gather3A_161, %gather3A_162 : vector<16xf32>
        %mul3A_164 = arith.constant 2.000000e-01 : f32
        %mul3A_165 = vector.broadcast %mul3A_164 : f32 to vector<16xf32>
        %mul3A_166 = arith.mulf %mul3A_165, %add3A_163 : vector<16xf32>
        %max3A_167 = arith.maximumf %add3A_163, %mul3A_166 : vector<16xf32>
        %sub3A_168 = arith.subf %max3A_167, %get3A_4 : vector<16xf32>
        %exp3A_169 = math.exp %sub3A_168 : vector<16xf32>
        %swap3A_170 = arith.constant 112 : index
        %swap3A_171 = tpu.vector_load %arg14[%swap3A_170] {strides = array<i32>} : memref<128xf32, #tpu.memory_space<vmem>>, vector<16xf32>,
        tpu.vector_store %arg14[%swap3A_170], %exp3A_169 {strides = array<i32>} : memref<128xf32, #tpu.memory_space<vmem>>, vector<16xf32>,
        %add3A_172 = vector.broadcast %mul3A_6 : i32 to vector<16xi32>
        %add3A_173 = arith.addi %get3A_158, %add3A_172 : vector<16xi32>
        %swap3A_174 = arith.constant 112 : index
        %swap3A_175 = tpu.vector_load %arg13[%swap3A_174] {strides = array<i32>} : memref<128xi32, #tpu.memory_space<vmem>>, vector<16xi32>,
        tpu.vector_store %arg13[%swap3A_174], %add3A_173 {strides = array<i32>} : memref<128xi32, #tpu.memory_space<vmem>>, vector<16xi32>,
        %dma_start3A = arith.constant 0 : i32
        %dma_start3A_176 = arith.constant 0 : i32
        %dma_start3A_177 = tpu.memref_slice %arg2[%dma_start3A, %dma_start3A_176] : memref<20000x144xf32, #tpu.memory_space<hbm>> -> memref<20000x144xf32, #tpu.memory_space<hbm>>
        tpu.enqueue_indirect_dma source(%dma_start3A_177 : memref<20000x144xf32, #tpu.memory_space<hbm>>) target(%arg15 : memref<128x144xf32, #tpu.memory_space<vmem>>) offsets(%arg13 : memref<128xi32, #tpu.memory_space<vmem>>) semaphore(%arg17 : memref<!tpu.dma_semaphore, #tpu.memory_space<semaphore_mem>>)
        %dma_wait3A = arith.constant 0 : i32
        %dma_wait3A_178 = arith.constant 0 : i32
        %dma_wait3A_179 = tpu.memref_slice %arg2[%dma_wait3A, %dma_wait3A_178] : memref<20000x144xf32, #tpu.memory_space<hbm>> -> memref<20000x144xf32, #tpu.memory_space<hbm>>
        tpu.wait_indirect_dma semaphore(%arg17 : memref<!tpu.dma_semaphore, #tpu.memory_space<semaphore_mem>>) src(%dma_wait3A_179 : memref<20000x144xf32, #tpu.memory_space<hbm>>) dst(%arg15 : memref<128x144xf32, #tpu.memory_space<vmem>>)
        %scan3A_180 = arith.constant 0 : i32
        %scan3A_181 = arith.constant 0 : i32
        %scan3A_182 = arith.constant 128 : i32
        %scan3A_183 = arith.addi %scan3A_181, %scan3A_182 : i32
        %scan3A_184 = arith.constant 1 : i32
        scf.for %scan3A_186 = %scan3A_181 to %scan3A_183 step %scan3A_184  : i32 {
          %broadcast_in_dim3A = vector.broadcast %scan3A_186 : i32 to vector<16xi32>
          %gather3A_187 = tpu.vector_load_idx %arg14[%broadcast_in_dim3A] : memref<128xf32, #tpu.memory_space<vmem>>[vector<16xi32>], vector<16xf32>,
          %get3A_188 = arith.index_cast %scan3A_186 : i32 to index
          %get3A_189 = arith.constant 0 : index
          %get3A_190 = tpu.vector_load %arg15[%get3A_188, %get3A_189] {strides = array<i32>} : memref<128x144xf32, #tpu.memory_space<vmem>>, vector<16xf32>,
          %mul3A_191 = arith.mulf %get3A_190, %gather3A_187 : vector<16xf32>
          %swap3A_192 = arith.index_cast %scan3A_186 : i32 to index
          %swap3A_193 = arith.constant 0 : index
          %swap3A_194 = tpu.vector_load %arg15[%swap3A_192, %swap3A_193] {strides = array<i32>} : memref<128x144xf32, #tpu.memory_space<vmem>>, vector<16xf32>,
          tpu.vector_store %arg15[%swap3A_192, %swap3A_193], %mul3A_191 {strides = array<i32>} : memref<128x144xf32, #tpu.memory_space<vmem>>, vector<16xf32>,
          %get3A_195 = arith.index_cast %scan3A_186 : i32 to index
          %get3A_196 = arith.constant 16 : index
          %get3A_197 = tpu.vector_load %arg15[%get3A_195, %get3A_196] {strides = array<i32>} : memref<128x144xf32, #tpu.memory_space<vmem>>, vector<16xf32>,
          %mul3A_198 = arith.mulf %get3A_197, %gather3A_187 : vector<16xf32>
          %swap3A_199 = arith.index_cast %scan3A_186 : i32 to index
          %swap3A_200 = arith.constant 16 : index
          %swap3A_201 = tpu.vector_load %arg15[%swap3A_199, %swap3A_200] {strides = array<i32>} : memref<128x144xf32, #tpu.memory_space<vmem>>, vector<16xf32>,
          tpu.vector_store %arg15[%swap3A_199, %swap3A_200], %mul3A_198 {strides = array<i32>} : memref<128x144xf32, #tpu.memory_space<vmem>>, vector<16xf32>,
          %get3A_202 = arith.index_cast %scan3A_186 : i32 to index
          %get3A_203 = arith.constant 32 : index
          %get3A_204 = tpu.vector_load %arg15[%get3A_202, %get3A_203] {strides = array<i32>} : memref<128x144xf32, #tpu.memory_space<vmem>>, vector<16xf32>,
          %mul3A_205 = arith.mulf %get3A_204, %gather3A_187 : vector<16xf32>
          %swap3A_206 = arith.index_cast %scan3A_186 : i32 to index
          %swap3A_207 = arith.constant 32 : index
          %swap3A_208 = tpu.vector_load %arg15[%swap3A_206, %swap3A_207] {strides = array<i32>} : memref<128x144xf32, #tpu.memory_space<vmem>>, vector<16xf32>,
          tpu.vector_store %arg15[%swap3A_206, %swap3A_207], %mul3A_205 {strides = array<i32>} : memref<128x144xf32, #tpu.memory_space<vmem>>, vector<16xf32>,
          %get3A_209 = arith.index_cast %scan3A_186 : i32 to index
          %get3A_210 = arith.constant 48 : index
          %get3A_211 = tpu.vector_load %arg15[%get3A_209, %get3A_210] {strides = array<i32>} : memref<128x144xf32, #tpu.memory_space<vmem>>, vector<16xf32>,
          %mul3A_212 = arith.mulf %get3A_211, %gather3A_187 : vector<16xf32>
          %swap3A_213 = arith.index_cast %scan3A_186 : i32 to index
          %swap3A_214 = arith.constant 48 : index
          %swap3A_215 = tpu.vector_load %arg15[%swap3A_213, %swap3A_214] {strides = array<i32>} : memref<128x144xf32, #tpu.memory_space<vmem>>, vector<16xf32>,
          tpu.vector_store %arg15[%swap3A_213, %swap3A_214], %mul3A_212 {strides = array<i32>} : memref<128x144xf32, #tpu.memory_space<vmem>>, vector<16xf32>,
          %get3A_216 = arith.index_cast %scan3A_186 : i32 to index
          %get3A_217 = arith.constant 64 : index
          %get3A_218 = tpu.vector_load %arg15[%get3A_216, %get3A_217] {strides = array<i32>} : memref<128x144xf32, #tpu.memory_space<vmem>>, vector<16xf32>,
          %mul3A_219 = arith.mulf %get3A_218, %gather3A_187 : vector<16xf32>
          %swap3A_220 = arith.index_cast %scan3A_186 : i32 to index
          %swap3A_221 = arith.constant 64 : index
          %swap3A_222 = tpu.vector_load %arg15[%swap3A_220, %swap3A_221] {strides = array<i32>} : memref<128x144xf32, #tpu.memory_space<vmem>>, vector<16xf32>,
          tpu.vector_store %arg15[%swap3A_220, %swap3A_221], %mul3A_219 {strides = array<i32>} : memref<128x144xf32, #tpu.memory_space<vmem>>, vector<16xf32>,
          %get3A_223 = arith.index_cast %scan3A_186 : i32 to index
          %get3A_224 = arith.constant 80 : index
          %get3A_225 = tpu.vector_load %arg15[%get3A_223, %get3A_224] {strides = array<i32>} : memref<128x144xf32, #tpu.memory_space<vmem>>, vector<16xf32>,
          %mul3A_226 = arith.mulf %get3A_225, %gather3A_187 : vector<16xf32>
          %swap3A_227 = arith.index_cast %scan3A_186 : i32 to index
          %swap3A_228 = arith.constant 80 : index
          %swap3A_229 = tpu.vector_load %arg15[%swap3A_227, %swap3A_228] {strides = array<i32>} : memref<128x144xf32, #tpu.memory_space<vmem>>, vector<16xf32>,
          tpu.vector_store %arg15[%swap3A_227, %swap3A_228], %mul3A_226 {strides = array<i32>} : memref<128x144xf32, #tpu.memory_space<vmem>>, vector<16xf32>,
          %get3A_230 = arith.index_cast %scan3A_186 : i32 to index
          %get3A_231 = arith.constant 96 : index
          %get3A_232 = tpu.vector_load %arg15[%get3A_230, %get3A_231] {strides = array<i32>} : memref<128x144xf32, #tpu.memory_space<vmem>>, vector<16xf32>,
          %mul3A_233 = arith.mulf %get3A_232, %gather3A_187 : vector<16xf32>
          %swap3A_234 = arith.index_cast %scan3A_186 : i32 to index
          %swap3A_235 = arith.constant 96 : index
          %swap3A_236 = tpu.vector_load %arg15[%swap3A_234, %swap3A_235] {strides = array<i32>} : memref<128x144xf32, #tpu.memory_space<vmem>>, vector<16xf32>,
          tpu.vector_store %arg15[%swap3A_234, %swap3A_235], %mul3A_233 {strides = array<i32>} : memref<128x144xf32, #tpu.memory_space<vmem>>, vector<16xf32>,
          %get3A_237 = arith.index_cast %scan3A_186 : i32 to index
          %get3A_238 = arith.constant 112 : index
          %get3A_239 = tpu.vector_load %arg15[%get3A_237, %get3A_238] {strides = array<i32>} : memref<128x144xf32, #tpu.memory_space<vmem>>, vector<16xf32>,
          %mul3A_240 = arith.mulf %get3A_239, %gather3A_187 : vector<16xf32>
          %swap3A_241 = arith.index_cast %scan3A_186 : i32 to index
          %swap3A_242 = arith.constant 112 : index
          %swap3A_243 = tpu.vector_load %arg15[%swap3A_241, %swap3A_242] {strides = array<i32>} : memref<128x144xf32, #tpu.memory_space<vmem>>, vector<16xf32>,
          tpu.vector_store %arg15[%swap3A_241, %swap3A_242], %mul3A_240 {strides = array<i32>} : memref<128x144xf32, #tpu.memory_space<vmem>>, vector<16xf32>,
          %get3A_244 = arith.index_cast %scan3A_186 : i32 to index
          %get3A_245 = arith.constant 128 : index
          %get3A_246 = tpu.vector_load %arg15[%get3A_244, %get3A_245] {strides = array<i32>} : memref<128x144xf32, #tpu.memory_space<vmem>>, vector<16xf32>,
          %mul3A_247 = arith.mulf %get3A_246, %gather3A_187 : vector<16xf32>
          %swap3A_248 = arith.index_cast %scan3A_186 : i32 to index
          %swap3A_249 = arith.constant 128 : index
          %swap3A_250 = tpu.vector_load %arg15[%swap3A_248, %swap3A_249] {strides = array<i32>} : memref<128x144xf32, #tpu.memory_space<vmem>>, vector<16xf32>,
          tpu.vector_store %arg15[%swap3A_248, %swap3A_249], %mul3A_247 {strides = array<i32>} : memref<128x144xf32, #tpu.memory_space<vmem>>, vector<16xf32>,
        }
        %scan3A_185 = arith.constant 128 : i32
        "tpu.region"() ({
          %run_scoped3A_186 = tpu.sem_alloc : memref<!tpu.dma_semaphore, #tpu.memory_space<semaphore_mem>>
          %dma_start3A_187 = arith.constant 0 : i32
          %dma_start3A_188 = arith.constant 0 : i32
          %dma_start3A_189 = tpu.memref_slice %arg16[%dma_start3A_187, %dma_start3A_188] : memref<10112x144xf32, #tpu.memory_space<vmem_shared>> -> memref<10112x144xf32, #tpu.memory_space<vmem_shared>>
          tpu.enqueue_indirect_dma source(%arg15 : memref<128x144xf32, #tpu.memory_space<vmem>>) target(%dma_start3A_189 : memref<10112x144xf32, #tpu.memory_space<vmem_shared>>) offsets(%arg12 : memref<128xi32, #tpu.memory_space<vmem>>) semaphore(%run_scoped3A_186 : memref<!tpu.dma_semaphore, #tpu.memory_space<semaphore_mem>>) {add = true}
          %dma_wait3A_190 = arith.constant 0 : i32
          %dma_wait3A_191 = arith.constant 0 : i32
          %dma_wait3A_192 = tpu.memref_slice %arg16[%dma_wait3A_190, %dma_wait3A_191] : memref<10112x144xf32, #tpu.memory_space<vmem_shared>> -> memref<10112x144xf32, #tpu.memory_space<vmem_shared>>
          tpu.wait_indirect_dma semaphore(%run_scoped3A_186 : memref<!tpu.dma_semaphore, #tpu.memory_space<semaphore_mem>>) src(%arg15 : memref<128x144xf32, #tpu.memory_space<vmem>>) dst(%dma_wait3A_192 : memref<10112x144xf32, #tpu.memory_space<vmem_shared>>)
          tpu.yield
        }) : () -> ()
      } else {
      }
    }
    %scan3A_13 = arith.constant 157 : i32
    %barrier3A_14 = arith.constant 0 : index
    tpu.barrier barrier_id(%barrier3A_14)
    %mul3A_15 = arith.constant 632 : i32
    %mul3A_16 = arith.muli %arg1, %mul3A_15 : i32
    %mul3A_17 = arith.constant 632 : i32
    %mul3A_18 = arith.muli %arg1, %mul3A_17 : i32
    %add3A = arith.addi %mul3A_8, %mul3A_18 : i32
    "tpu.region"() ({
      %run_scoped3A_19 = tpu.sem_alloc : memref<!tpu.dma_semaphore, #tpu.memory_space<semaphore_mem>>
      %dma_start3A = arith.constant 0 : i32
      %dma_start3A_20 = tpu.memref_slice %arg7[%add3A, %dma_start3A] : memref<20224x144xf32, #tpu.memory_space<hbm>> -> memref<632x144xf32, #tpu.memory_space<hbm>>
      %dma_start3A_21 = arith.constant 0 : i32
      %dma_start3A_22 = tpu.memref_slice %arg16[%mul3A_16, %dma_start3A_21] : memref<10112x144xf32, #tpu.memory_space<vmem_shared>> -> memref<632x144xf32, #tpu.memory_space<vmem_shared>>
      tpu.enqueue_dma source(%dma_start3A_22 : memref<632x144xf32, #tpu.memory_space<vmem_shared>>) target(%dma_start3A_20 : memref<632x144xf32, #tpu.memory_space<hbm>>) target_semaphore(%run_scoped3A_19 : memref<!tpu.dma_semaphore, #tpu.memory_space<semaphore_mem>>)
      %dma_wait3A = arith.constant 0 : i32
      %dma_wait3A_23 = tpu.memref_slice %arg7[%add3A, %dma_wait3A] : memref<20224x144xf32, #tpu.memory_space<hbm>> -> memref<632x144xf32, #tpu.memory_space<hbm>>
      %dma_wait3A_24 = arith.constant 0 : i32
      %dma_wait3A_25 = tpu.memref_slice %arg16[%mul3A_16, %dma_wait3A_24] : memref<10112x144xf32, #tpu.memory_space<vmem_shared>> -> memref<632x144xf32, #tpu.memory_space<vmem_shared>>
      tpu.wait_dma2 semaphore(%run_scoped3A_19 : memref<!tpu.dma_semaphore, #tpu.memory_space<semaphore_mem>>) src(%dma_wait3A_25 : memref<632x144xf32, #tpu.memory_space<vmem_shared>>) dst(%dma_wait3A_23 : memref<632x144xf32, #tpu.memory_space<hbm>>)
      tpu.yield
    }) : () -> ()
    return
  }
}

#map = affine_map<(d0, d1) -> (0, 0)>
#map1 = affine_map<(d0, d1) -> (0, 0, 0)>
module attributes {stable_mosaic.version = 14 : i64} {
  func.func @k(%arg0: i32, %arg1: i32, %arg2: memref<20000x80xf32, #tpu.memory_space<hbm>>, %arg3: memref<2x320000xi32, #tpu.memory_space<hbm>>, %arg4: memref<2x2x10000xf32, #tpu.memory_space<hbm>>, %arg5: memref<2x16xf32, #tpu.memory_space<hbm>>, %arg6: memref<10112x80xf32, #tpu.memory_space<hbm>>, %arg7: memref<20224x80xf32, #tpu.memory_space<hbm>>, %arg8: memref<10000xf32, #tpu.memory_space<vmem>>, %arg9: memref<10000xf32, #tpu.memory_space<vmem>>, %arg10: memref<16xf32, #tpu.memory_space<vmem>>, %arg11: memref<128xi32, #tpu.memory_space<vmem>>, %arg12: memref<128xi32, #tpu.memory_space<vmem>>, %arg13: memref<128xi32, #tpu.memory_space<vmem>>, %arg14: memref<128xf32, #tpu.memory_space<vmem>>, %arg15: memref<128x80xf32, #tpu.memory_space<vmem>>, %arg16: memref<10112x80xf32, #tpu.memory_space<vmem_shared>>, %arg17: memref<!tpu.dma_semaphore, #tpu.memory_space<semaphore_mem>>) attributes {dimension_semantics = [#tpu.dimension_semantics<core_parallel>, #tpu.dimension_semantics<subcore_parallel>], iteration_bounds = array<i64: 2, 16>, scalar_prefetch = 0 : i64, scratch_operands = 10 : i64, tpu.core_type = #tpu.core_type<sc_vector_subcore>, window_params = [{transform_indices = #map}, {transform_indices = #map}, {transform_indices = #map1}, {transform_indices = #map}, {transform_indices = #map}, {transform_indices = #map}]} {
    %run_scoped3A = arith.constant 0 : i32
    "tpu.region"() ({
      %run_scoped3A_19 = tpu.sem_alloc : memref<!tpu.dma_semaphore, #tpu.memory_space<semaphore_mem>>
      %dma_start3A = arith.constant 0 : i32
      %dma_start3A_20 = tpu.memref_slice %arg4[%arg0, %run_scoped3A, %dma_start3A] : memref<2x2x10000xf32, #tpu.memory_space<hbm>> -> memref<1x1x10000xf32, #tpu.memory_space<hbm>>
      %dma_start3A_21 = tpu.memref_squeeze %dma_start3A_20 : memref<1x1x10000xf32, #tpu.memory_space<hbm>> -> memref<10000xf32, #tpu.memory_space<hbm>>
      %dma_start3A_22 = arith.constant 0 : i32
      %dma_start3A_23 = tpu.memref_slice %arg4[%arg0, %run_scoped3A, %dma_start3A_22] : memref<2x2x10000xf32, #tpu.memory_space<hbm>> -> memref<1x1x10000xf32, #tpu.memory_space<hbm>>
      %dma_start3A_24 = tpu.memref_squeeze %dma_start3A_23 : memref<1x1x10000xf32, #tpu.memory_space<hbm>> -> memref<10000xf32, #tpu.memory_space<hbm>>
      tpu.enqueue_dma source(%dma_start3A_24 : memref<10000xf32, #tpu.memory_space<hbm>>) target(%arg8 : memref<10000xf32, #tpu.memory_space<vmem>>) target_semaphore(%run_scoped3A_19 : memref<!tpu.dma_semaphore, #tpu.memory_space<semaphore_mem>>)
      %dma_wait3A = arith.constant 0 : i32
      %dma_wait3A_25 = tpu.memref_slice %arg4[%arg0, %run_scoped3A, %dma_wait3A] : memref<2x2x10000xf32, #tpu.memory_space<hbm>> -> memref<1x1x10000xf32, #tpu.memory_space<hbm>>
      %dma_wait3A_26 = tpu.memref_squeeze %dma_wait3A_25 : memref<1x1x10000xf32, #tpu.memory_space<hbm>> -> memref<10000xf32, #tpu.memory_space<hbm>>
      %dma_wait3A_27 = arith.constant 0 : i32
      %dma_wait3A_28 = tpu.memref_slice %arg4[%arg0, %run_scoped3A, %dma_wait3A_27] : memref<2x2x10000xf32, #tpu.memory_space<hbm>> -> memref<1x1x10000xf32, #tpu.memory_space<hbm>>
      %dma_wait3A_29 = tpu.memref_squeeze %dma_wait3A_28 : memref<1x1x10000xf32, #tpu.memory_space<hbm>> -> memref<10000xf32, #tpu.memory_space<hbm>>
      tpu.wait_dma2 semaphore(%run_scoped3A_19 : memref<!tpu.dma_semaphore, #tpu.memory_space<semaphore_mem>>) src(%dma_wait3A_29 : memref<10000xf32, #tpu.memory_space<hbm>>) dst(%arg8 : memref<10000xf32, #tpu.memory_space<vmem>>)
      tpu.yield
    }) : () -> ()
    %run_scoped3A_0 = arith.constant 1 : i32
    "tpu.region"() ({
      %run_scoped3A_19 = tpu.sem_alloc : memref<!tpu.dma_semaphore, #tpu.memory_space<semaphore_mem>>
      %dma_start3A = arith.constant 0 : i32
      %dma_start3A_20 = tpu.memref_slice %arg4[%arg0, %run_scoped3A_0, %dma_start3A] : memref<2x2x10000xf32, #tpu.memory_space<hbm>> -> memref<1x1x10000xf32, #tpu.memory_space<hbm>>
      %dma_start3A_21 = tpu.memref_squeeze %dma_start3A_20 : memref<1x1x10000xf32, #tpu.memory_space<hbm>> -> memref<10000xf32, #tpu.memory_space<hbm>>
      %dma_start3A_22 = arith.constant 0 : i32
      %dma_start3A_23 = tpu.memref_slice %arg4[%arg0, %run_scoped3A_0, %dma_start3A_22] : memref<2x2x10000xf32, #tpu.memory_space<hbm>> -> memref<1x1x10000xf32, #tpu.memory_space<hbm>>
      %dma_start3A_24 = tpu.memref_squeeze %dma_start3A_23 : memref<1x1x10000xf32, #tpu.memory_space<hbm>> -> memref<10000xf32, #tpu.memory_space<hbm>>
      tpu.enqueue_dma source(%dma_start3A_24 : memref<10000xf32, #tpu.memory_space<hbm>>) target(%arg9 : memref<10000xf32, #tpu.memory_space<vmem>>) target_semaphore(%run_scoped3A_19 : memref<!tpu.dma_semaphore, #tpu.memory_space<semaphore_mem>>)
      %dma_wait3A = arith.constant 0 : i32
      %dma_wait3A_25 = tpu.memref_slice %arg4[%arg0, %run_scoped3A_0, %dma_wait3A] : memref<2x2x10000xf32, #tpu.memory_space<hbm>> -> memref<1x1x10000xf32, #tpu.memory_space<hbm>>
      %dma_wait3A_26 = tpu.memref_squeeze %dma_wait3A_25 : memref<1x1x10000xf32, #tpu.memory_space<hbm>> -> memref<10000xf32, #tpu.memory_space<hbm>>
      %dma_wait3A_27 = arith.constant 0 : i32
      %dma_wait3A_28 = tpu.memref_slice %arg4[%arg0, %run_scoped3A_0, %dma_wait3A_27] : memref<2x2x10000xf32, #tpu.memory_space<hbm>> -> memref<1x1x10000xf32, #tpu.memory_space<hbm>>
      %dma_wait3A_29 = tpu.memref_squeeze %dma_wait3A_28 : memref<1x1x10000xf32, #tpu.memory_space<hbm>> -> memref<10000xf32, #tpu.memory_space<hbm>>
      tpu.wait_dma2 semaphore(%run_scoped3A_19 : memref<!tpu.dma_semaphore, #tpu.memory_space<semaphore_mem>>) src(%dma_wait3A_29 : memref<10000xf32, #tpu.memory_space<hbm>>) dst(%arg9 : memref<10000xf32, #tpu.memory_space<vmem>>)
      tpu.yield
    }) : () -> ()
    "tpu.region"() ({
      %run_scoped3A_19 = tpu.sem_alloc : memref<!tpu.dma_semaphore, #tpu.memory_space<semaphore_mem>>
      %dma_start3A = arith.constant 0 : i32
      %dma_start3A_20 = tpu.memref_slice %arg5[%arg0, %dma_start3A] : memref<2x16xf32, #tpu.memory_space<hbm>> -> memref<1x16xf32, #tpu.memory_space<hbm>>
      %dma_start3A_21 = tpu.memref_squeeze %dma_start3A_20 : memref<1x16xf32, #tpu.memory_space<hbm>> -> memref<16xf32, #tpu.memory_space<hbm>>
      %dma_start3A_22 = arith.constant 0 : i32
      %dma_start3A_23 = tpu.memref_slice %arg5[%arg0, %dma_start3A_22] : memref<2x16xf32, #tpu.memory_space<hbm>> -> memref<1x16xf32, #tpu.memory_space<hbm>>
      %dma_start3A_24 = tpu.memref_squeeze %dma_start3A_23 : memref<1x16xf32, #tpu.memory_space<hbm>> -> memref<16xf32, #tpu.memory_space<hbm>>
      tpu.enqueue_dma source(%dma_start3A_24 : memref<16xf32, #tpu.memory_space<hbm>>) target(%arg10 : memref<16xf32, #tpu.memory_space<vmem>>) target_semaphore(%run_scoped3A_19 : memref<!tpu.dma_semaphore, #tpu.memory_space<semaphore_mem>>)
      %dma_wait3A = arith.constant 0 : i32
      %dma_wait3A_25 = tpu.memref_slice %arg5[%arg0, %dma_wait3A] : memref<2x16xf32, #tpu.memory_space<hbm>> -> memref<1x16xf32, #tpu.memory_space<hbm>>
      %dma_wait3A_26 = tpu.memref_squeeze %dma_wait3A_25 : memref<1x16xf32, #tpu.memory_space<hbm>> -> memref<16xf32, #tpu.memory_space<hbm>>
      %dma_wait3A_27 = arith.constant 0 : i32
      %dma_wait3A_28 = tpu.memref_slice %arg5[%arg0, %dma_wait3A_27] : memref<2x16xf32, #tpu.memory_space<hbm>> -> memref<1x16xf32, #tpu.memory_space<hbm>>
      %dma_wait3A_29 = tpu.memref_squeeze %dma_wait3A_28 : memref<1x16xf32, #tpu.memory_space<hbm>> -> memref<16xf32, #tpu.memory_space<hbm>>
      tpu.wait_dma2 semaphore(%run_scoped3A_19 : memref<!tpu.dma_semaphore, #tpu.memory_space<semaphore_mem>>) src(%dma_wait3A_29 : memref<16xf32, #tpu.memory_space<hbm>>) dst(%arg10 : memref<16xf32, #tpu.memory_space<vmem>>)
      tpu.yield
    }) : () -> ()
    %mul3A = arith.constant 632 : i32
    %mul3A_1 = arith.muli %arg1, %mul3A : i32
    %mul3A_2 = arith.constant 632 : i32
    %mul3A_3 = arith.muli %arg1, %mul3A_2 : i32
    "tpu.region"() ({
      %run_scoped3A_19 = tpu.sem_alloc : memref<!tpu.dma_semaphore, #tpu.memory_space<semaphore_mem>>
      %dma_start3A = arith.constant 0 : i32
      %dma_start3A_20 = tpu.memref_slice %arg16[%mul3A_3, %dma_start3A] : memref<10112x80xf32, #tpu.memory_space<vmem_shared>> -> memref<632x80xf32, #tpu.memory_space<vmem_shared>>
      %dma_start3A_21 = arith.constant 0 : i32
      %dma_start3A_22 = tpu.memref_slice %arg6[%mul3A_1, %dma_start3A_21] : memref<10112x80xf32, #tpu.memory_space<hbm>> -> memref<632x80xf32, #tpu.memory_space<hbm>>
      tpu.enqueue_dma source(%dma_start3A_22 : memref<632x80xf32, #tpu.memory_space<hbm>>) target(%dma_start3A_20 : memref<632x80xf32, #tpu.memory_space<vmem_shared>>) target_semaphore(%run_scoped3A_19 : memref<!tpu.dma_semaphore, #tpu.memory_space<semaphore_mem>>)
      %dma_wait3A = arith.constant 0 : i32
      %dma_wait3A_23 = tpu.memref_slice %arg16[%mul3A_3, %dma_wait3A] : memref<10112x80xf32, #tpu.memory_space<vmem_shared>> -> memref<632x80xf32, #tpu.memory_space<vmem_shared>>
      %dma_wait3A_24 = arith.constant 0 : i32
      %dma_wait3A_25 = tpu.memref_slice %arg6[%mul3A_1, %dma_wait3A_24] : memref<10112x80xf32, #tpu.memory_space<hbm>> -> memref<632x80xf32, #tpu.memory_space<hbm>>
      tpu.wait_dma2 semaphore(%run_scoped3A_19 : memref<!tpu.dma_semaphore, #tpu.memory_space<semaphore_mem>>) src(%dma_wait3A_25 : memref<632x80xf32, #tpu.memory_space<hbm>>) dst(%dma_wait3A_23 : memref<632x80xf32, #tpu.memory_space<vmem_shared>>)
      tpu.yield
    }) : () -> ()
    %barrier3A = arith.constant 0 : index
    tpu.barrier barrier_id(%barrier3A)
    %get3A = arith.constant 0 : index
    %get3A_4 = tpu.vector_load %arg10[%get3A] {strides = array<i32>} : memref<16xf32, #tpu.memory_space<vmem>>, vector<16xf32>,
    %mul3A_5 = arith.constant 10000 : i32
    %mul3A_6 = arith.muli %arg0, %mul3A_5 : i32
    %mul3A_7 = arith.constant 10112 : i32
    %mul3A_8 = arith.muli %arg0, %mul3A_7 : i32
    %scan3A = arith.constant 0 : i32
    %scan3A_9 = arith.constant 0 : i32
    %scan3A_10 = arith.constant 157 : i32
    %scan3A_11 = arith.addi %scan3A_9, %scan3A_10 : i32
    %scan3A_12 = arith.constant 1 : i32
    scf.for %scan3A_19 = %scan3A_9 to %scan3A_11 step %scan3A_12  : i32 {
      %mul3A_20 = arith.constant 16 : i32
      %mul3A_21 = arith.muli %scan3A_19, %mul3A_20 : i32
      %add3A_22 = arith.addi %arg1, %mul3A_21 : i32
      %lt3A = arith.constant 2500 : i32
      %lt3A_23 = arith.cmpi slt, %add3A_22, %lt3A : i32
      %convert_element_type3A = arith.extui %lt3A_23 : i1 to i32
      %cond3A = arith.constant 0 : i32
      %cond3A_24 = arith.cmpi ne, %convert_element_type3A, %cond3A : i32
      scf.if %cond3A_24 {
        %mul3A_25 = arith.constant 128 : i32
        %mul3A_26 = arith.muli %add3A_22, %mul3A_25 : i32
        %run_scoped3A_27 = arith.constant 0 : i32
        "tpu.region"() ({
          %run_scoped3A_186 = tpu.sem_alloc : memref<!tpu.dma_semaphore, #tpu.memory_space<semaphore_mem>>
          %dma_start3A_187 = tpu.memref_slice %arg3[%run_scoped3A_27, %mul3A_26] : memref<2x320000xi32, #tpu.memory_space<hbm>> -> memref<1x128xi32, #tpu.memory_space<hbm>>
          %dma_start3A_188 = tpu.memref_squeeze %dma_start3A_187 : memref<1x128xi32, #tpu.memory_space<hbm>> -> memref<128xi32, #tpu.memory_space<hbm>>
          %dma_start3A_189 = tpu.memref_slice %arg3[%run_scoped3A_27, %mul3A_26] : memref<2x320000xi32, #tpu.memory_space<hbm>> -> memref<1x128xi32, #tpu.memory_space<hbm>>
          %dma_start3A_190 = tpu.memref_squeeze %dma_start3A_189 : memref<1x128xi32, #tpu.memory_space<hbm>> -> memref<128xi32, #tpu.memory_space<hbm>>
          tpu.enqueue_dma source(%dma_start3A_190 : memref<128xi32, #tpu.memory_space<hbm>>) target(%arg11 : memref<128xi32, #tpu.memory_space<vmem>>) target_semaphore(%run_scoped3A_186 : memref<!tpu.dma_semaphore, #tpu.memory_space<semaphore_mem>>)
          %dma_wait3A_191 = tpu.memref_slice %arg3[%run_scoped3A_27, %mul3A_26] : memref<2x320000xi32, #tpu.memory_space<hbm>> -> memref<1x128xi32, #tpu.memory_space<hbm>>
          %dma_wait3A_192 = tpu.memref_squeeze %dma_wait3A_191 : memref<1x128xi32, #tpu.memory_space<hbm>> -> memref<128xi32, #tpu.memory_space<hbm>>
          %dma_wait3A_193 = tpu.memref_slice %arg3[%run_scoped3A_27, %mul3A_26] : memref<2x320000xi32, #tpu.memory_space<hbm>> -> memref<1x128xi32, #tpu.memory_space<hbm>>
          %dma_wait3A_194 = tpu.memref_squeeze %dma_wait3A_193 : memref<1x128xi32, #tpu.memory_space<hbm>> -> memref<128xi32, #tpu.memory_space<hbm>>
          tpu.wait_dma2 semaphore(%run_scoped3A_186 : memref<!tpu.dma_semaphore, #tpu.memory_space<semaphore_mem>>) src(%dma_wait3A_194 : memref<128xi32, #tpu.memory_space<hbm>>) dst(%arg11 : memref<128xi32, #tpu.memory_space<vmem>>)
          tpu.yield
        }) : () -> ()
        %run_scoped3A_28 = arith.constant 1 : i32
        "tpu.region"() ({
          %run_scoped3A_186 = tpu.sem_alloc : memref<!tpu.dma_semaphore, #tpu.memory_space<semaphore_mem>>
          %dma_start3A_187 = tpu.memref_slice %arg3[%run_scoped3A_28, %mul3A_26] : memref<2x320000xi32, #tpu.memory_space<hbm>> -> memref<1x128xi32, #tpu.memory_space<hbm>>
          %dma_start3A_188 = tpu.memref_squeeze %dma_start3A_187 : memref<1x128xi32, #tpu.memory_space<hbm>> -> memref<128xi32, #tpu.memory_space<hbm>>
          %dma_start3A_189 = tpu.memref_slice %arg3[%run_scoped3A_28, %mul3A_26] : memref<2x320000xi32, #tpu.memory_space<hbm>> -> memref<1x128xi32, #tpu.memory_space<hbm>>
          %dma_start3A_190 = tpu.memref_squeeze %dma_start3A_189 : memref<1x128xi32, #tpu.memory_space<hbm>> -> memref<128xi32, #tpu.memory_space<hbm>>
          tpu.enqueue_dma source(%dma_start3A_190 : memref<128xi32, #tpu.memory_space<hbm>>) target(%arg12 : memref<128xi32, #tpu.memory_space<vmem>>) target_semaphore(%run_scoped3A_186 : memref<!tpu.dma_semaphore, #tpu.memory_space<semaphore_mem>>)
          %dma_wait3A_191 = tpu.memref_slice %arg3[%run_scoped3A_28, %mul3A_26] : memref<2x320000xi32, #tpu.memory_space<hbm>> -> memref<1x128xi32, #tpu.memory_space<hbm>>
          %dma_wait3A_192 = tpu.memref_squeeze %dma_wait3A_191 : memref<1x128xi32, #tpu.memory_space<hbm>> -> memref<128xi32, #tpu.memory_space<hbm>>
          %dma_wait3A_193 = tpu.memref_slice %arg3[%run_scoped3A_28, %mul3A_26] : memref<2x320000xi32, #tpu.memory_space<hbm>> -> memref<1x128xi32, #tpu.memory_space<hbm>>
          %dma_wait3A_194 = tpu.memref_squeeze %dma_wait3A_193 : memref<1x128xi32, #tpu.memory_space<hbm>> -> memref<128xi32, #tpu.memory_space<hbm>>
          tpu.wait_dma2 semaphore(%run_scoped3A_186 : memref<!tpu.dma_semaphore, #tpu.memory_space<semaphore_mem>>) src(%dma_wait3A_194 : memref<128xi32, #tpu.memory_space<hbm>>) dst(%arg12 : memref<128xi32, #tpu.memory_space<vmem>>)
          tpu.yield
        }) : () -> ()
        %get3A_29 = arith.constant 0 : index
        %get3A_30 = tpu.vector_load %arg11[%get3A_29] {strides = array<i32>} : memref<128xi32, #tpu.memory_space<vmem>>, vector<16xi32>,
        %get3A_31 = arith.constant 0 : index
        %get3A_32 = tpu.vector_load %arg12[%get3A_31] {strides = array<i32>} : memref<128xi32, #tpu.memory_space<vmem>>, vector<16xi32>,
        %gather3A = tpu.vector_load_idx %arg8[%get3A_30] : memref<10000xf32, #tpu.memory_space<vmem>>[vector<16xi32>], vector<16xf32>,
        %gather3A_33 = tpu.vector_load_idx %arg9[%get3A_32] : memref<10000xf32, #tpu.memory_space<vmem>>[vector<16xi32>], vector<16xf32>,
        %add3A_34 = arith.addf %gather3A, %gather3A_33 : vector<16xf32>
        %mul3A_35 = arith.constant 2.000000e-01 : f32
        %mul3A_36 = vector.broadcast %mul3A_35 : f32 to vector<16xf32>
        %mul3A_37 = arith.mulf %mul3A_36, %add3A_34 : vector<16xf32>
        %max3A = arith.maximumf %add3A_34, %mul3A_37 : vector<16xf32>
        %sub3A = arith.subf %max3A, %get3A_4 : vector<16xf32>
        %exp3A = math.exp %sub3A : vector<16xf32>
        %swap3A = arith.constant 0 : index
        %swap3A_38 = tpu.vector_load %arg14[%swap3A] {strides = array<i32>} : memref<128xf32, #tpu.memory_space<vmem>>, vector<16xf32>,
        tpu.vector_store %arg14[%swap3A], %exp3A {strides = array<i32>} : memref<128xf32, #tpu.memory_space<vmem>>, vector<16xf32>,
        %add3A_39 = vector.broadcast %mul3A_6 : i32 to vector<16xi32>
        %add3A_40 = arith.addi %get3A_30, %add3A_39 : vector<16xi32>
        %swap3A_41 = arith.constant 0 : index
        %swap3A_42 = tpu.vector_load %arg13[%swap3A_41] {strides = array<i32>} : memref<128xi32, #tpu.memory_space<vmem>>, vector<16xi32>,
        tpu.vector_store %arg13[%swap3A_41], %add3A_40 {strides = array<i32>} : memref<128xi32, #tpu.memory_space<vmem>>, vector<16xi32>,
        %get3A_43 = arith.constant 16 : index
        %get3A_44 = tpu.vector_load %arg11[%get3A_43] {strides = array<i32>} : memref<128xi32, #tpu.memory_space<vmem>>, vector<16xi32>,
        %get3A_45 = arith.constant 16 : index
        %get3A_46 = tpu.vector_load %arg12[%get3A_45] {strides = array<i32>} : memref<128xi32, #tpu.memory_space<vmem>>, vector<16xi32>,
        %gather3A_47 = tpu.vector_load_idx %arg8[%get3A_44] : memref<10000xf32, #tpu.memory_space<vmem>>[vector<16xi32>], vector<16xf32>,
        %gather3A_48 = tpu.vector_load_idx %arg9[%get3A_46] : memref<10000xf32, #tpu.memory_space<vmem>>[vector<16xi32>], vector<16xf32>,
        %add3A_49 = arith.addf %gather3A_47, %gather3A_48 : vector<16xf32>
        %mul3A_50 = arith.constant 2.000000e-01 : f32
        %mul3A_51 = vector.broadcast %mul3A_50 : f32 to vector<16xf32>
        %mul3A_52 = arith.mulf %mul3A_51, %add3A_49 : vector<16xf32>
        %max3A_53 = arith.maximumf %add3A_49, %mul3A_52 : vector<16xf32>
        %sub3A_54 = arith.subf %max3A_53, %get3A_4 : vector<16xf32>
        %exp3A_55 = math.exp %sub3A_54 : vector<16xf32>
        %swap3A_56 = arith.constant 16 : index
        %swap3A_57 = tpu.vector_load %arg14[%swap3A_56] {strides = array<i32>} : memref<128xf32, #tpu.memory_space<vmem>>, vector<16xf32>,
        tpu.vector_store %arg14[%swap3A_56], %exp3A_55 {strides = array<i32>} : memref<128xf32, #tpu.memory_space<vmem>>, vector<16xf32>,
        %add3A_58 = vector.broadcast %mul3A_6 : i32 to vector<16xi32>
        %add3A_59 = arith.addi %get3A_44, %add3A_58 : vector<16xi32>
        %swap3A_60 = arith.constant 16 : index
        %swap3A_61 = tpu.vector_load %arg13[%swap3A_60] {strides = array<i32>} : memref<128xi32, #tpu.memory_space<vmem>>, vector<16xi32>,
        tpu.vector_store %arg13[%swap3A_60], %add3A_59 {strides = array<i32>} : memref<128xi32, #tpu.memory_space<vmem>>, vector<16xi32>,
        %get3A_62 = arith.constant 32 : index
        %get3A_63 = tpu.vector_load %arg11[%get3A_62] {strides = array<i32>} : memref<128xi32, #tpu.memory_space<vmem>>, vector<16xi32>,
        %get3A_64 = arith.constant 32 : index
        %get3A_65 = tpu.vector_load %arg12[%get3A_64] {strides = array<i32>} : memref<128xi32, #tpu.memory_space<vmem>>, vector<16xi32>,
        %gather3A_66 = tpu.vector_load_idx %arg8[%get3A_63] : memref<10000xf32, #tpu.memory_space<vmem>>[vector<16xi32>], vector<16xf32>,
        %gather3A_67 = tpu.vector_load_idx %arg9[%get3A_65] : memref<10000xf32, #tpu.memory_space<vmem>>[vector<16xi32>], vector<16xf32>,
        %add3A_68 = arith.addf %gather3A_66, %gather3A_67 : vector<16xf32>
        %mul3A_69 = arith.constant 2.000000e-01 : f32
        %mul3A_70 = vector.broadcast %mul3A_69 : f32 to vector<16xf32>
        %mul3A_71 = arith.mulf %mul3A_70, %add3A_68 : vector<16xf32>
        %max3A_72 = arith.maximumf %add3A_68, %mul3A_71 : vector<16xf32>
        %sub3A_73 = arith.subf %max3A_72, %get3A_4 : vector<16xf32>
        %exp3A_74 = math.exp %sub3A_73 : vector<16xf32>
        %swap3A_75 = arith.constant 32 : index
        %swap3A_76 = tpu.vector_load %arg14[%swap3A_75] {strides = array<i32>} : memref<128xf32, #tpu.memory_space<vmem>>, vector<16xf32>,
        tpu.vector_store %arg14[%swap3A_75], %exp3A_74 {strides = array<i32>} : memref<128xf32, #tpu.memory_space<vmem>>, vector<16xf32>,
        %add3A_77 = vector.broadcast %mul3A_6 : i32 to vector<16xi32>
        %add3A_78 = arith.addi %get3A_63, %add3A_77 : vector<16xi32>
        %swap3A_79 = arith.constant 32 : index
        %swap3A_80 = tpu.vector_load %arg13[%swap3A_79] {strides = array<i32>} : memref<128xi32, #tpu.memory_space<vmem>>, vector<16xi32>,
        tpu.vector_store %arg13[%swap3A_79], %add3A_78 {strides = array<i32>} : memref<128xi32, #tpu.memory_space<vmem>>, vector<16xi32>,
        %get3A_81 = arith.constant 48 : index
        %get3A_82 = tpu.vector_load %arg11[%get3A_81] {strides = array<i32>} : memref<128xi32, #tpu.memory_space<vmem>>, vector<16xi32>,
        %get3A_83 = arith.constant 48 : index
        %get3A_84 = tpu.vector_load %arg12[%get3A_83] {strides = array<i32>} : memref<128xi32, #tpu.memory_space<vmem>>, vector<16xi32>,
        %gather3A_85 = tpu.vector_load_idx %arg8[%get3A_82] : memref<10000xf32, #tpu.memory_space<vmem>>[vector<16xi32>], vector<16xf32>,
        %gather3A_86 = tpu.vector_load_idx %arg9[%get3A_84] : memref<10000xf32, #tpu.memory_space<vmem>>[vector<16xi32>], vector<16xf32>,
        %add3A_87 = arith.addf %gather3A_85, %gather3A_86 : vector<16xf32>
        %mul3A_88 = arith.constant 2.000000e-01 : f32
        %mul3A_89 = vector.broadcast %mul3A_88 : f32 to vector<16xf32>
        %mul3A_90 = arith.mulf %mul3A_89, %add3A_87 : vector<16xf32>
        %max3A_91 = arith.maximumf %add3A_87, %mul3A_90 : vector<16xf32>
        %sub3A_92 = arith.subf %max3A_91, %get3A_4 : vector<16xf32>
        %exp3A_93 = math.exp %sub3A_92 : vector<16xf32>
        %swap3A_94 = arith.constant 48 : index
        %swap3A_95 = tpu.vector_load %arg14[%swap3A_94] {strides = array<i32>} : memref<128xf32, #tpu.memory_space<vmem>>, vector<16xf32>,
        tpu.vector_store %arg14[%swap3A_94], %exp3A_93 {strides = array<i32>} : memref<128xf32, #tpu.memory_space<vmem>>, vector<16xf32>,
        %add3A_96 = vector.broadcast %mul3A_6 : i32 to vector<16xi32>
        %add3A_97 = arith.addi %get3A_82, %add3A_96 : vector<16xi32>
        %swap3A_98 = arith.constant 48 : index
        %swap3A_99 = tpu.vector_load %arg13[%swap3A_98] {strides = array<i32>} : memref<128xi32, #tpu.memory_space<vmem>>, vector<16xi32>,
        tpu.vector_store %arg13[%swap3A_98], %add3A_97 {strides = array<i32>} : memref<128xi32, #tpu.memory_space<vmem>>, vector<16xi32>,
        %get3A_100 = arith.constant 64 : index
        %get3A_101 = tpu.vector_load %arg11[%get3A_100] {strides = array<i32>} : memref<128xi32, #tpu.memory_space<vmem>>, vector<16xi32>,
        %get3A_102 = arith.constant 64 : index
        %get3A_103 = tpu.vector_load %arg12[%get3A_102] {strides = array<i32>} : memref<128xi32, #tpu.memory_space<vmem>>, vector<16xi32>,
        %gather3A_104 = tpu.vector_load_idx %arg8[%get3A_101] : memref<10000xf32, #tpu.memory_space<vmem>>[vector<16xi32>], vector<16xf32>,
        %gather3A_105 = tpu.vector_load_idx %arg9[%get3A_103] : memref<10000xf32, #tpu.memory_space<vmem>>[vector<16xi32>], vector<16xf32>,
        %add3A_106 = arith.addf %gather3A_104, %gather3A_105 : vector<16xf32>
        %mul3A_107 = arith.constant 2.000000e-01 : f32
        %mul3A_108 = vector.broadcast %mul3A_107 : f32 to vector<16xf32>
        %mul3A_109 = arith.mulf %mul3A_108, %add3A_106 : vector<16xf32>
        %max3A_110 = arith.maximumf %add3A_106, %mul3A_109 : vector<16xf32>
        %sub3A_111 = arith.subf %max3A_110, %get3A_4 : vector<16xf32>
        %exp3A_112 = math.exp %sub3A_111 : vector<16xf32>
        %swap3A_113 = arith.constant 64 : index
        %swap3A_114 = tpu.vector_load %arg14[%swap3A_113] {strides = array<i32>} : memref<128xf32, #tpu.memory_space<vmem>>, vector<16xf32>,
        tpu.vector_store %arg14[%swap3A_113], %exp3A_112 {strides = array<i32>} : memref<128xf32, #tpu.memory_space<vmem>>, vector<16xf32>,
        %add3A_115 = vector.broadcast %mul3A_6 : i32 to vector<16xi32>
        %add3A_116 = arith.addi %get3A_101, %add3A_115 : vector<16xi32>
        %swap3A_117 = arith.constant 64 : index
        %swap3A_118 = tpu.vector_load %arg13[%swap3A_117] {strides = array<i32>} : memref<128xi32, #tpu.memory_space<vmem>>, vector<16xi32>,
        tpu.vector_store %arg13[%swap3A_117], %add3A_116 {strides = array<i32>} : memref<128xi32, #tpu.memory_space<vmem>>, vector<16xi32>,
        %get3A_119 = arith.constant 80 : index
        %get3A_120 = tpu.vector_load %arg11[%get3A_119] {strides = array<i32>} : memref<128xi32, #tpu.memory_space<vmem>>, vector<16xi32>,
        %get3A_121 = arith.constant 80 : index
        %get3A_122 = tpu.vector_load %arg12[%get3A_121] {strides = array<i32>} : memref<128xi32, #tpu.memory_space<vmem>>, vector<16xi32>,
        %gather3A_123 = tpu.vector_load_idx %arg8[%get3A_120] : memref<10000xf32, #tpu.memory_space<vmem>>[vector<16xi32>], vector<16xf32>,
        %gather3A_124 = tpu.vector_load_idx %arg9[%get3A_122] : memref<10000xf32, #tpu.memory_space<vmem>>[vector<16xi32>], vector<16xf32>,
        %add3A_125 = arith.addf %gather3A_123, %gather3A_124 : vector<16xf32>
        %mul3A_126 = arith.constant 2.000000e-01 : f32
        %mul3A_127 = vector.broadcast %mul3A_126 : f32 to vector<16xf32>
        %mul3A_128 = arith.mulf %mul3A_127, %add3A_125 : vector<16xf32>
        %max3A_129 = arith.maximumf %add3A_125, %mul3A_128 : vector<16xf32>
        %sub3A_130 = arith.subf %max3A_129, %get3A_4 : vector<16xf32>
        %exp3A_131 = math.exp %sub3A_130 : vector<16xf32>
        %swap3A_132 = arith.constant 80 : index
        %swap3A_133 = tpu.vector_load %arg14[%swap3A_132] {strides = array<i32>} : memref<128xf32, #tpu.memory_space<vmem>>, vector<16xf32>,
        tpu.vector_store %arg14[%swap3A_132], %exp3A_131 {strides = array<i32>} : memref<128xf32, #tpu.memory_space<vmem>>, vector<16xf32>,
        %add3A_134 = vector.broadcast %mul3A_6 : i32 to vector<16xi32>
        %add3A_135 = arith.addi %get3A_120, %add3A_134 : vector<16xi32>
        %swap3A_136 = arith.constant 80 : index
        %swap3A_137 = tpu.vector_load %arg13[%swap3A_136] {strides = array<i32>} : memref<128xi32, #tpu.memory_space<vmem>>, vector<16xi32>,
        tpu.vector_store %arg13[%swap3A_136], %add3A_135 {strides = array<i32>} : memref<128xi32, #tpu.memory_space<vmem>>, vector<16xi32>,
        %get3A_138 = arith.constant 96 : index
        %get3A_139 = tpu.vector_load %arg11[%get3A_138] {strides = array<i32>} : memref<128xi32, #tpu.memory_space<vmem>>, vector<16xi32>,
        %get3A_140 = arith.constant 96 : index
        %get3A_141 = tpu.vector_load %arg12[%get3A_140] {strides = array<i32>} : memref<128xi32, #tpu.memory_space<vmem>>, vector<16xi32>,
        %gather3A_142 = tpu.vector_load_idx %arg8[%get3A_139] : memref<10000xf32, #tpu.memory_space<vmem>>[vector<16xi32>], vector<16xf32>,
        %gather3A_143 = tpu.vector_load_idx %arg9[%get3A_141] : memref<10000xf32, #tpu.memory_space<vmem>>[vector<16xi32>], vector<16xf32>,
        %add3A_144 = arith.addf %gather3A_142, %gather3A_143 : vector<16xf32>
        %mul3A_145 = arith.constant 2.000000e-01 : f32
        %mul3A_146 = vector.broadcast %mul3A_145 : f32 to vector<16xf32>
        %mul3A_147 = arith.mulf %mul3A_146, %add3A_144 : vector<16xf32>
        %max3A_148 = arith.maximumf %add3A_144, %mul3A_147 : vector<16xf32>
        %sub3A_149 = arith.subf %max3A_148, %get3A_4 : vector<16xf32>
        %exp3A_150 = math.exp %sub3A_149 : vector<16xf32>
        %swap3A_151 = arith.constant 96 : index
        %swap3A_152 = tpu.vector_load %arg14[%swap3A_151] {strides = array<i32>} : memref<128xf32, #tpu.memory_space<vmem>>, vector<16xf32>,
        tpu.vector_store %arg14[%swap3A_151], %exp3A_150 {strides = array<i32>} : memref<128xf32, #tpu.memory_space<vmem>>, vector<16xf32>,
        %add3A_153 = vector.broadcast %mul3A_6 : i32 to vector<16xi32>
        %add3A_154 = arith.addi %get3A_139, %add3A_153 : vector<16xi32>
        %swap3A_155 = arith.constant 96 : index
        %swap3A_156 = tpu.vector_load %arg13[%swap3A_155] {strides = array<i32>} : memref<128xi32, #tpu.memory_space<vmem>>, vector<16xi32>,
        tpu.vector_store %arg13[%swap3A_155], %add3A_154 {strides = array<i32>} : memref<128xi32, #tpu.memory_space<vmem>>, vector<16xi32>,
        %get3A_157 = arith.constant 112 : index
        %get3A_158 = tpu.vector_load %arg11[%get3A_157] {strides = array<i32>} : memref<128xi32, #tpu.memory_space<vmem>>, vector<16xi32>,
        %get3A_159 = arith.constant 112 : index
        %get3A_160 = tpu.vector_load %arg12[%get3A_159] {strides = array<i32>} : memref<128xi32, #tpu.memory_space<vmem>>, vector<16xi32>,
        %gather3A_161 = tpu.vector_load_idx %arg8[%get3A_158] : memref<10000xf32, #tpu.memory_space<vmem>>[vector<16xi32>], vector<16xf32>,
        %gather3A_162 = tpu.vector_load_idx %arg9[%get3A_160] : memref<10000xf32, #tpu.memory_space<vmem>>[vector<16xi32>], vector<16xf32>,
        %add3A_163 = arith.addf %gather3A_161, %gather3A_162 : vector<16xf32>
        %mul3A_164 = arith.constant 2.000000e-01 : f32
        %mul3A_165 = vector.broadcast %mul3A_164 : f32 to vector<16xf32>
        %mul3A_166 = arith.mulf %mul3A_165, %add3A_163 : vector<16xf32>
        %max3A_167 = arith.maximumf %add3A_163, %mul3A_166 : vector<16xf32>
        %sub3A_168 = arith.subf %max3A_167, %get3A_4 : vector<16xf32>
        %exp3A_169 = math.exp %sub3A_168 : vector<16xf32>
        %swap3A_170 = arith.constant 112 : index
        %swap3A_171 = tpu.vector_load %arg14[%swap3A_170] {strides = array<i32>} : memref<128xf32, #tpu.memory_space<vmem>>, vector<16xf32>,
        tpu.vector_store %arg14[%swap3A_170], %exp3A_169 {strides = array<i32>} : memref<128xf32, #tpu.memory_space<vmem>>, vector<16xf32>,
        %add3A_172 = vector.broadcast %mul3A_6 : i32 to vector<16xi32>
        %add3A_173 = arith.addi %get3A_158, %add3A_172 : vector<16xi32>
        %swap3A_174 = arith.constant 112 : index
        %swap3A_175 = tpu.vector_load %arg13[%swap3A_174] {strides = array<i32>} : memref<128xi32, #tpu.memory_space<vmem>>, vector<16xi32>,
        tpu.vector_store %arg13[%swap3A_174], %add3A_173 {strides = array<i32>} : memref<128xi32, #tpu.memory_space<vmem>>, vector<16xi32>,
        %dma_start3A = arith.constant 0 : i32
        %dma_start3A_176 = arith.constant 0 : i32
        %dma_start3A_177 = tpu.memref_slice %arg2[%dma_start3A, %dma_start3A_176] : memref<20000x80xf32, #tpu.memory_space<hbm>> -> memref<20000x80xf32, #tpu.memory_space<hbm>>
        tpu.enqueue_indirect_dma source(%dma_start3A_177 : memref<20000x80xf32, #tpu.memory_space<hbm>>) target(%arg15 : memref<128x80xf32, #tpu.memory_space<vmem>>) offsets(%arg13 : memref<128xi32, #tpu.memory_space<vmem>>) semaphore(%arg17 : memref<!tpu.dma_semaphore, #tpu.memory_space<semaphore_mem>>)
        %dma_wait3A = arith.constant 0 : i32
        %dma_wait3A_178 = arith.constant 0 : i32
        %dma_wait3A_179 = tpu.memref_slice %arg2[%dma_wait3A, %dma_wait3A_178] : memref<20000x80xf32, #tpu.memory_space<hbm>> -> memref<20000x80xf32, #tpu.memory_space<hbm>>
        tpu.wait_indirect_dma semaphore(%arg17 : memref<!tpu.dma_semaphore, #tpu.memory_space<semaphore_mem>>) src(%dma_wait3A_179 : memref<20000x80xf32, #tpu.memory_space<hbm>>) dst(%arg15 : memref<128x80xf32, #tpu.memory_space<vmem>>)
        %scan3A_180 = arith.constant 0 : i32
        %scan3A_181 = arith.constant 0 : i32
        %scan3A_182 = arith.constant 128 : i32
        %scan3A_183 = arith.addi %scan3A_181, %scan3A_182 : i32
        %scan3A_184 = arith.constant 1 : i32
        scf.for %scan3A_186 = %scan3A_181 to %scan3A_183 step %scan3A_184  : i32 {
          %broadcast_in_dim3A = vector.broadcast %scan3A_186 : i32 to vector<16xi32>
          %gather3A_187 = tpu.vector_load_idx %arg14[%broadcast_in_dim3A] : memref<128xf32, #tpu.memory_space<vmem>>[vector<16xi32>], vector<16xf32>,
          %get3A_188 = arith.index_cast %scan3A_186 : i32 to index
          %get3A_189 = arith.constant 0 : index
          %get3A_190 = tpu.vector_load %arg15[%get3A_188, %get3A_189] {strides = array<i32>} : memref<128x80xf32, #tpu.memory_space<vmem>>, vector<16xf32>,
          %mul3A_191 = arith.mulf %get3A_190, %gather3A_187 : vector<16xf32>
          %swap3A_192 = arith.index_cast %scan3A_186 : i32 to index
          %swap3A_193 = arith.constant 0 : index
          %swap3A_194 = tpu.vector_load %arg15[%swap3A_192, %swap3A_193] {strides = array<i32>} : memref<128x80xf32, #tpu.memory_space<vmem>>, vector<16xf32>,
          tpu.vector_store %arg15[%swap3A_192, %swap3A_193], %mul3A_191 {strides = array<i32>} : memref<128x80xf32, #tpu.memory_space<vmem>>, vector<16xf32>,
          %get3A_195 = arith.index_cast %scan3A_186 : i32 to index
          %get3A_196 = arith.constant 16 : index
          %get3A_197 = tpu.vector_load %arg15[%get3A_195, %get3A_196] {strides = array<i32>} : memref<128x80xf32, #tpu.memory_space<vmem>>, vector<16xf32>,
          %mul3A_198 = arith.mulf %get3A_197, %gather3A_187 : vector<16xf32>
          %swap3A_199 = arith.index_cast %scan3A_186 : i32 to index
          %swap3A_200 = arith.constant 16 : index
          %swap3A_201 = tpu.vector_load %arg15[%swap3A_199, %swap3A_200] {strides = array<i32>} : memref<128x80xf32, #tpu.memory_space<vmem>>, vector<16xf32>,
          tpu.vector_store %arg15[%swap3A_199, %swap3A_200], %mul3A_198 {strides = array<i32>} : memref<128x80xf32, #tpu.memory_space<vmem>>, vector<16xf32>,
          %get3A_202 = arith.index_cast %scan3A_186 : i32 to index
          %get3A_203 = arith.constant 32 : index
          %get3A_204 = tpu.vector_load %arg15[%get3A_202, %get3A_203] {strides = array<i32>} : memref<128x80xf32, #tpu.memory_space<vmem>>, vector<16xf32>,
          %mul3A_205 = arith.mulf %get3A_204, %gather3A_187 : vector<16xf32>
          %swap3A_206 = arith.index_cast %scan3A_186 : i32 to index
          %swap3A_207 = arith.constant 32 : index
          %swap3A_208 = tpu.vector_load %arg15[%swap3A_206, %swap3A_207] {strides = array<i32>} : memref<128x80xf32, #tpu.memory_space<vmem>>, vector<16xf32>,
          tpu.vector_store %arg15[%swap3A_206, %swap3A_207], %mul3A_205 {strides = array<i32>} : memref<128x80xf32, #tpu.memory_space<vmem>>, vector<16xf32>,
          %get3A_209 = arith.index_cast %scan3A_186 : i32 to index
          %get3A_210 = arith.constant 48 : index
          %get3A_211 = tpu.vector_load %arg15[%get3A_209, %get3A_210] {strides = array<i32>} : memref<128x80xf32, #tpu.memory_space<vmem>>, vector<16xf32>,
          %mul3A_212 = arith.mulf %get3A_211, %gather3A_187 : vector<16xf32>
          %swap3A_213 = arith.index_cast %scan3A_186 : i32 to index
          %swap3A_214 = arith.constant 48 : index
          %swap3A_215 = tpu.vector_load %arg15[%swap3A_213, %swap3A_214] {strides = array<i32>} : memref<128x80xf32, #tpu.memory_space<vmem>>, vector<16xf32>,
          tpu.vector_store %arg15[%swap3A_213, %swap3A_214], %mul3A_212 {strides = array<i32>} : memref<128x80xf32, #tpu.memory_space<vmem>>, vector<16xf32>,
          %get3A_216 = arith.index_cast %scan3A_186 : i32 to index
          %get3A_217 = arith.constant 64 : index
          %get3A_218 = tpu.vector_load %arg15[%get3A_216, %get3A_217] {strides = array<i32>} : memref<128x80xf32, #tpu.memory_space<vmem>>, vector<16xf32>,
          %mul3A_219 = arith.mulf %get3A_218, %gather3A_187 : vector<16xf32>
          %swap3A_220 = arith.index_cast %scan3A_186 : i32 to index
          %swap3A_221 = arith.constant 64 : index
          %swap3A_222 = tpu.vector_load %arg15[%swap3A_220, %swap3A_221] {strides = array<i32>} : memref<128x80xf32, #tpu.memory_space<vmem>>, vector<16xf32>,
          tpu.vector_store %arg15[%swap3A_220, %swap3A_221], %mul3A_219 {strides = array<i32>} : memref<128x80xf32, #tpu.memory_space<vmem>>, vector<16xf32>,
        }
        %scan3A_185 = arith.constant 128 : i32
        "tpu.region"() ({
          %run_scoped3A_186 = tpu.sem_alloc : memref<!tpu.dma_semaphore, #tpu.memory_space<semaphore_mem>>
          %dma_start3A_187 = arith.constant 0 : i32
          %dma_start3A_188 = arith.constant 0 : i32
          %dma_start3A_189 = tpu.memref_slice %arg16[%dma_start3A_187, %dma_start3A_188] : memref<10112x80xf32, #tpu.memory_space<vmem_shared>> -> memref<10112x80xf32, #tpu.memory_space<vmem_shared>>
          tpu.enqueue_indirect_dma source(%arg15 : memref<128x80xf32, #tpu.memory_space<vmem>>) target(%dma_start3A_189 : memref<10112x80xf32, #tpu.memory_space<vmem_shared>>) offsets(%arg12 : memref<128xi32, #tpu.memory_space<vmem>>) semaphore(%run_scoped3A_186 : memref<!tpu.dma_semaphore, #tpu.memory_space<semaphore_mem>>) {add = true}
          %dma_wait3A_190 = arith.constant 0 : i32
          %dma_wait3A_191 = arith.constant 0 : i32
          %dma_wait3A_192 = tpu.memref_slice %arg16[%dma_wait3A_190, %dma_wait3A_191] : memref<10112x80xf32, #tpu.memory_space<vmem_shared>> -> memref<10112x80xf32, #tpu.memory_space<vmem_shared>>
          tpu.wait_indirect_dma semaphore(%run_scoped3A_186 : memref<!tpu.dma_semaphore, #tpu.memory_space<semaphore_mem>>) src(%arg15 : memref<128x80xf32, #tpu.memory_space<vmem>>) dst(%dma_wait3A_192 : memref<10112x80xf32, #tpu.memory_space<vmem_shared>>)
          tpu.yield
        }) : () -> ()
      } else {
      }
    }
    %scan3A_13 = arith.constant 157 : i32
    %barrier3A_14 = arith.constant 0 : index
    tpu.barrier barrier_id(%barrier3A_14)
    %mul3A_15 = arith.constant 632 : i32
    %mul3A_16 = arith.muli %arg1, %mul3A_15 : i32
    %mul3A_17 = arith.constant 632 : i32
    %mul3A_18 = arith.muli %arg1, %mul3A_17 : i32
    %add3A = arith.addi %mul3A_8, %mul3A_18 : i32
    "tpu.region"() ({
      %run_scoped3A_19 = tpu.sem_alloc : memref<!tpu.dma_semaphore, #tpu.memory_space<semaphore_mem>>
      %dma_start3A = arith.constant 0 : i32
      %dma_start3A_20 = tpu.memref_slice %arg7[%add3A, %dma_start3A] : memref<20224x80xf32, #tpu.memory_space<hbm>> -> memref<632x80xf32, #tpu.memory_space<hbm>>
      %dma_start3A_21 = arith.constant 0 : i32
      %dma_start3A_22 = tpu.memref_slice %arg16[%mul3A_16, %dma_start3A_21] : memref<10112x80xf32, #tpu.memory_space<vmem_shared>> -> memref<632x80xf32, #tpu.memory_space<vmem_shared>>
      tpu.enqueue_dma source(%dma_start3A_22 : memref<632x80xf32, #tpu.memory_space<vmem_shared>>) target(%dma_start3A_20 : memref<632x80xf32, #tpu.memory_space<hbm>>) target_semaphore(%run_scoped3A_19 : memref<!tpu.dma_semaphore, #tpu.memory_space<semaphore_mem>>)
      %dma_wait3A = arith.constant 0 : i32
      %dma_wait3A_23 = tpu.memref_slice %arg7[%add3A, %dma_wait3A] : memref<20224x80xf32, #tpu.memory_space<hbm>> -> memref<632x80xf32, #tpu.memory_space<hbm>>
      %dma_wait3A_24 = arith.constant 0 : i32
      %dma_wait3A_25 = tpu.memref_slice %arg16[%mul3A_16, %dma_wait3A_24] : memref<10112x80xf32, #tpu.memory_space<vmem_shared>> -> memref<632x80xf32, #tpu.memory_space<vmem_shared>>
      tpu.wait_dma2 semaphore(%run_scoped3A_19 : memref<!tpu.dma_semaphore, #tpu.memory_space<semaphore_mem>>) src(%dma_wait3A_25 : memref<632x80xf32, #tpu.memory_space<vmem_shared>>) dst(%dma_wait3A_23 : memref<632x80xf32, #tpu.memory_space<hbm>>)
      tpu.yield
    }) : () -> ()
    return
  }
}

module attributes {stable_mosaic.version = 14 : i64} {
  func.func @_m_body(%arg0: memref<25x2x2x400xf32, #tpu.memory_space<vmem>>, %arg1: memref<2x16xf32, #tpu.memory_space<vmem>>) attributes {dimension_semantics = [], scalar_prefetch = 0 : i64, scratch_operands = 0 : i64, tpu.core_type = #tpu.core_type<tc>} {
    %get3A = arith.constant 0 : index
    %get3A_0 = arith.constant 0 : index
    %get3A_1 = arith.constant 0 : index
    %get3A_2 = arith.constant 0 : index
    %get3A_3 = vector.load %arg0[%get3A, %get3A_0, %get3A_1, %get3A_2] : memref<25x2x2x400xf32, #tpu.memory_space<vmem>>, vector<25x2x2x400xf32>
    %reduce_max3A = arith.constant dense<0xFF800000> : vector<2x2xf32>
    %reduce_max3A_4 = vector.multi_reduction <maximumf>, %get3A_3, %reduce_max3A [0, 3] : vector<25x2x2x400xf32> to vector<2x2xf32>
    %slice3A = vector.extract_strided_slice %reduce_max3A_4 {offsets = [0, 0], sizes = [2, 1], strides = [1, 1]} : vector<2x2xf32> to vector<2x1xf32>
    %squeeze3A = vector.shape_cast %slice3A : vector<2x1xf32> to vector<2xf32>
    %slice3A_5 = vector.extract_strided_slice %reduce_max3A_4 {offsets = [0, 1], sizes = [2, 1], strides = [1, 1]} : vector<2x2xf32> to vector<2x1xf32>
    %squeeze3A_6 = vector.shape_cast %slice3A_5 : vector<2x1xf32> to vector<2xf32>
    %add3A = arith.addf %squeeze3A, %squeeze3A_6 : vector<2xf32>
    %max3A = arith.constant 0.000000e+00 : f32
    %max3A_7 = vector.broadcast %max3A : f32 to vector<2xf32>
    %max3A_8 = arith.maximumf %add3A, %max3A_7 : vector<2xf32>
    %broadcast_in_dim3A = vector.shape_cast %max3A_8 : vector<2xf32> to vector<2x1xf32>
    %broadcast_in_dim3A_9 = vector.shape_cast %broadcast_in_dim3A : vector<2x1xf32> to vector<2x1xf32>
    %broadcast_in_dim3A_10 = vector.broadcast %broadcast_in_dim3A_9 : vector<2x1xf32> to vector<2x16xf32>
    %swap3A = arith.constant 0 : index
    %swap3A_11 = arith.constant 0 : index
    %swap3A_12 = vector.load %arg1[%swap3A, %swap3A_11] : memref<2x16xf32, #tpu.memory_space<vmem>>, vector<2x16xf32>
    tpu.vector_store %arg1[%swap3A, %swap3A_11], %broadcast_in_dim3A_10 {strides = array<i32>} : memref<2x16xf32, #tpu.memory_space<vmem>>, vector<2x16xf32>,
    return
  }
}

module attributes {stable_mosaic.version = 14 : i64} {
  func.func @_prep_body(%arg0: i32, %arg1: memref<400x128xf32, #tpu.memory_space<vmem>>, %arg2: memref<128x256xf32, #tpu.memory_space<vmem>>, %arg3: memref<2x128xf32, #tpu.memory_space<vmem>>, %arg4: memref<2x128xf32, #tpu.memory_space<vmem>>, %arg5: memref<2x400x144xf32, #tpu.memory_space<vmem>>, %arg6: memref<1x2x2x400xf32, #tpu.memory_space<vmem>>) attributes {dimension_semantics = [#tpu.dimension_semantics<arbitrary>], iteration_bounds = array<i64: 25>, scalar_prefetch = 0 : i64, scratch_operands = 0 : i64, tpu.core_type = #tpu.core_type<tc>, window_params = [{transform_indices = @transform_0, window_bounds = array<i64: 400, 128>}, {pipeline_mode = #tpu.pipeline_mode<synchronous>, transform_indices = @transform_1, window_bounds = array<i64: 128, 256>}, {pipeline_mode = #tpu.pipeline_mode<synchronous>, transform_indices = @transform_2, window_bounds = array<i64: 2, 128>}, {pipeline_mode = #tpu.pipeline_mode<synchronous>, transform_indices = @transform_3, window_bounds = array<i64: 2, 128>}, {transform_indices = @transform_4, window_bounds = array<i64: 2, 400, 144>}, {transform_indices = @transform_5, window_bounds = array<i64: 1, 2, 2, 400>}]} {
    %get3A = arith.constant 0 : index
    %get3A_0 = arith.constant 0 : index
    %get3A_1 = vector.load %arg1[%get3A, %get3A_0] : memref<400x128xf32, #tpu.memory_space<vmem>>, vector<400x128xf32>
    %get3A_2 = arith.constant 0 : index
    %get3A_3 = arith.constant 0 : index
    %get3A_4 = vector.load %arg2[%get3A_2, %get3A_3] : memref<128x256xf32, #tpu.memory_space<vmem>>, vector<128x256xf32>
    %dot_general3A = arith.constant dense<0.000000e+00> : vector<400x256xf32>
    %dot_general3A_5 = tpu.matmul %get3A_1, %get3A_4, %dot_general3A {dimension_numbers = #tpu.dot_dimension_numbers<[1], [0], [0], [1], [0, 0, 1, 1], [], []>, precision = #tpu.contract_precision<fp32>, transpose_lhs_hint = false} : vector<400x128xf32>, vector<128x256xf32>, vector<400x256xf32> -> vector<400x256xf32>
    %slice3A = vector.extract_strided_slice %dot_general3A_5 {offsets = [0, 0], sizes = [400, 128], strides = [1, 1]} : vector<400x256xf32> to vector<400x128xf32>
    %broadcast_in_dim3A = arith.constant 1.000000e+00 : f32
    %broadcast_in_dim3A_6 = vector.broadcast %broadcast_in_dim3A : f32 to vector<400x1xf32>
    %broadcast_in_dim3A_7 = arith.constant 0.000000e+00 : f32
    %broadcast_in_dim3A_8 = vector.broadcast %broadcast_in_dim3A_7 : f32 to vector<400x15xf32>
    %concatenate3A = tpu.concatenate %slice3A, %broadcast_in_dim3A_6, %broadcast_in_dim3A_8 in 1 : vector<400x128xf32>, vector<400x1xf32>, vector<400x15xf32> -> vector<400x144xf32>
    %swap3A = arith.constant 0 : index
    %swap3A_9 = arith.constant 0 : index
    %swap3A_10 = arith.constant 0 : index
    %swap3A_11 = vector.load %arg5[%swap3A, %swap3A_9, %swap3A_10] : memref<2x400x144xf32, #tpu.memory_space<vmem>>, vector<1x400x144xf32>
    %swap3A_12 = vector.shape_cast %swap3A_11 : vector<1x400x144xf32> to vector<400x144xf32>
    %swap3A_13 = vector.shape_cast %concatenate3A : vector<400x144xf32> to vector<1x400x144xf32>
    tpu.vector_store %arg5[%swap3A, %swap3A_9, %swap3A_10], %swap3A_13 {strides = array<i32>} : memref<2x400x144xf32, #tpu.memory_space<vmem>>, vector<1x400x144xf32>,
    %get3A_14 = arith.constant 0 : index
    %get3A_15 = arith.constant 0 : index
    %get3A_16 = vector.load %arg3[%get3A_14, %get3A_15] : memref<2x128xf32, #tpu.memory_space<vmem>>, vector<1x128xf32>
    %get3A_17 = vector.shape_cast %get3A_16 : vector<1x128xf32> to vector<128xf32>
    %broadcast_in_dim3A_18 = vector.shape_cast %get3A_17 : vector<128xf32> to vector<1x128xf32>
    %mul3A = vector.broadcast %broadcast_in_dim3A_18 : vector<1x128xf32> to vector<400x128xf32>
    %mul3A_19 = arith.mulf %slice3A, %mul3A : vector<400x128xf32>
    %reduce_sum3A = arith.constant dense<0.000000e+00> : vector<400xf32>
    %reduce_sum3A_20 = vector.multi_reduction <add>, %mul3A_19, %reduce_sum3A [1] : vector<400x128xf32> to vector<400xf32>
    %swap3A_21 = arith.constant 0 : index
    %swap3A_22 = arith.constant 0 : index
    %swap3A_23 = arith.constant 0 : index
    %swap3A_24 = arith.constant 0 : index
    %swap3A_25 = vector.load %arg6[%swap3A_21, %swap3A_22, %swap3A_23, %swap3A_24] : memref<1x2x2x400xf32, #tpu.memory_space<vmem>>, vector<1x1x1x400xf32>
    %swap3A_26 = vector.shape_cast %swap3A_25 : vector<1x1x1x400xf32> to vector<400xf32>
    %swap3A_27 = vector.shape_cast %reduce_sum3A_20 : vector<400xf32> to vector<1x1x1x400xf32>
    tpu.vector_store %arg6[%swap3A_21, %swap3A_22, %swap3A_23, %swap3A_24], %swap3A_27 {strides = array<i32>} : memref<1x2x2x400xf32, #tpu.memory_space<vmem>>, vector<1x1x1x400xf32>,
    %get3A_28 = arith.constant 0 : index
    %get3A_29 = arith.constant 0 : index
    %get3A_30 = vector.load %arg4[%get3A_28, %get3A_29] : memref<2x128xf32, #tpu.memory_space<vmem>>, vector<1x128xf32>
    %get3A_31 = vector.shape_cast %get3A_30 : vector<1x128xf32> to vector<128xf32>
    %broadcast_in_dim3A_32 = vector.shape_cast %get3A_31 : vector<128xf32> to vector<1x128xf32>
    %mul3A_33 = vector.broadcast %broadcast_in_dim3A_32 : vector<1x128xf32> to vector<400x128xf32>
    %mul3A_34 = arith.mulf %slice3A, %mul3A_33 : vector<400x128xf32>
    %reduce_sum3A_35 = arith.constant dense<0.000000e+00> : vector<400xf32>
    %reduce_sum3A_36 = vector.multi_reduction <add>, %mul3A_34, %reduce_sum3A_35 [1] : vector<400x128xf32> to vector<400xf32>
    %swap3A_37 = arith.constant 0 : index
    %swap3A_38 = arith.constant 0 : index
    %swap3A_39 = arith.constant 1 : index
    %swap3A_40 = arith.constant 0 : index
    %swap3A_41 = vector.load %arg6[%swap3A_37, %swap3A_38, %swap3A_39, %swap3A_40] : memref<1x2x2x400xf32, #tpu.memory_space<vmem>>, vector<1x1x1x400xf32>
    %swap3A_42 = vector.shape_cast %swap3A_41 : vector<1x1x1x400xf32> to vector<400xf32>
    %swap3A_43 = vector.shape_cast %reduce_sum3A_36 : vector<400xf32> to vector<1x1x1x400xf32>
    tpu.vector_store %arg6[%swap3A_37, %swap3A_38, %swap3A_39, %swap3A_40], %swap3A_43 {strides = array<i32>} : memref<1x2x2x400xf32, #tpu.memory_space<vmem>>, vector<1x1x1x400xf32>,
    %slice3A_44 = vector.extract_strided_slice %dot_general3A_5 {offsets = [0, 128], sizes = [400, 128], strides = [1, 1]} : vector<400x256xf32> to vector<400x128xf32>
    %broadcast_in_dim3A_45 = arith.constant 1.000000e+00 : f32
    %broadcast_in_dim3A_46 = vector.broadcast %broadcast_in_dim3A_45 : f32 to vector<400x1xf32>
    %broadcast_in_dim3A_47 = arith.constant 0.000000e+00 : f32
    %broadcast_in_dim3A_48 = vector.broadcast %broadcast_in_dim3A_47 : f32 to vector<400x15xf32>
    %concatenate3A_49 = tpu.concatenate %slice3A_44, %broadcast_in_dim3A_46, %broadcast_in_dim3A_48 in 1 : vector<400x128xf32>, vector<400x1xf32>, vector<400x15xf32> -> vector<400x144xf32>
    %swap3A_50 = arith.constant 1 : index
    %swap3A_51 = arith.constant 0 : index
    %swap3A_52 = arith.constant 0 : index
    %swap3A_53 = vector.load %arg5[%swap3A_50, %swap3A_51, %swap3A_52] : memref<2x400x144xf32, #tpu.memory_space<vmem>>, vector<1x400x144xf32>
    %swap3A_54 = vector.shape_cast %swap3A_53 : vector<1x400x144xf32> to vector<400x144xf32>
    %swap3A_55 = vector.shape_cast %concatenate3A_49 : vector<400x144xf32> to vector<1x400x144xf32>
    tpu.vector_store %arg5[%swap3A_50, %swap3A_51, %swap3A_52], %swap3A_55 {strides = array<i32>} : memref<2x400x144xf32, #tpu.memory_space<vmem>>, vector<1x400x144xf32>,
    %get3A_56 = arith.constant 1 : index
    %get3A_57 = arith.constant 0 : index
    %get3A_58 = vector.load %arg3[%get3A_56, %get3A_57] : memref<2x128xf32, #tpu.memory_space<vmem>>, vector<1x128xf32>
    %get3A_59 = vector.shape_cast %get3A_58 : vector<1x128xf32> to vector<128xf32>
    %broadcast_in_dim3A_60 = vector.shape_cast %get3A_59 : vector<128xf32> to vector<1x128xf32>
    %mul3A_61 = vector.broadcast %broadcast_in_dim3A_60 : vector<1x128xf32> to vector<400x128xf32>
    %mul3A_62 = arith.mulf %slice3A_44, %mul3A_61 : vector<400x128xf32>
    %reduce_sum3A_63 = arith.constant dense<0.000000e+00> : vector<400xf32>
    %reduce_sum3A_64 = vector.multi_reduction <add>, %mul3A_62, %reduce_sum3A_63 [1] : vector<400x128xf32> to vector<400xf32>
    %swap3A_65 = arith.constant 0 : index
    %swap3A_66 = arith.constant 1 : index
    %swap3A_67 = arith.constant 0 : index
    %swap3A_68 = arith.constant 0 : index
    %swap3A_69 = vector.load %arg6[%swap3A_65, %swap3A_66, %swap3A_67, %swap3A_68] : memref<1x2x2x400xf32, #tpu.memory_space<vmem>>, vector<1x1x1x400xf32>
    %swap3A_70 = vector.shape_cast %swap3A_69 : vector<1x1x1x400xf32> to vector<400xf32>
    %swap3A_71 = vector.shape_cast %reduce_sum3A_64 : vector<400xf32> to vector<1x1x1x400xf32>
    tpu.vector_store %arg6[%swap3A_65, %swap3A_66, %swap3A_67, %swap3A_68], %swap3A_71 {strides = array<i32>} : memref<1x2x2x400xf32, #tpu.memory_space<vmem>>, vector<1x1x1x400xf32>,
    %get3A_72 = arith.constant 1 : index
    %get3A_73 = arith.constant 0 : index
    %get3A_74 = vector.load %arg4[%get3A_72, %get3A_73] : memref<2x128xf32, #tpu.memory_space<vmem>>, vector<1x128xf32>
    %get3A_75 = vector.shape_cast %get3A_74 : vector<1x128xf32> to vector<128xf32>
    %broadcast_in_dim3A_76 = vector.shape_cast %get3A_75 : vector<128xf32> to vector<1x128xf32>
    %mul3A_77 = vector.broadcast %broadcast_in_dim3A_76 : vector<1x128xf32> to vector<400x128xf32>
    %mul3A_78 = arith.mulf %slice3A_44, %mul3A_77 : vector<400x128xf32>
    %reduce_sum3A_79 = arith.constant dense<0.000000e+00> : vector<400xf32>
    %reduce_sum3A_80 = vector.multi_reduction <add>, %mul3A_78, %reduce_sum3A_79 [1] : vector<400x128xf32> to vector<400xf32>
    %swap3A_81 = arith.constant 0 : index
    %swap3A_82 = arith.constant 1 : index
    %swap3A_83 = arith.constant 1 : index
    %swap3A_84 = arith.constant 0 : index
    %swap3A_85 = vector.load %arg6[%swap3A_81, %swap3A_82, %swap3A_83, %swap3A_84] : memref<1x2x2x400xf32, #tpu.memory_space<vmem>>, vector<1x1x1x400xf32>
    %swap3A_86 = vector.shape_cast %swap3A_85 : vector<1x1x1x400xf32> to vector<400xf32>
    %swap3A_87 = vector.shape_cast %reduce_sum3A_80 : vector<400xf32> to vector<1x1x1x400xf32>
    tpu.vector_store %arg6[%swap3A_81, %swap3A_82, %swap3A_83, %swap3A_84], %swap3A_87 {strides = array<i32>} : memref<1x2x2x400xf32, #tpu.memory_space<vmem>>, vector<1x1x1x400xf32>,
    return
  }
  func.func @transform_0(%arg0: i32) -> (i32, i32) {
    %c0_i32 = arith.constant 0 : i32
    %c0_i32_0 = arith.constant 0 : i32
    return %arg0, %c0_i32 : i32, i32
  }
  func.func @transform_1(%arg0: i32) -> (i32, i32) {
    %c0_i32 = arith.constant 0 : i32
    %c0_i32_0 = arith.constant 0 : i32
    %c0_i32_1 = arith.constant 0 : i32
    return %c0_i32, %c0_i32_0 : i32, i32
  }
  func.func @transform_2(%arg0: i32) -> (i32, i32) {
    %c0_i32 = arith.constant 0 : i32
    %c0_i32_0 = arith.constant 0 : i32
    %c0_i32_1 = arith.constant 0 : i32
    return %c0_i32, %c0_i32_0 : i32, i32
  }
  func.func @transform_3(%arg0: i32) -> (i32, i32) {
    %c0_i32 = arith.constant 0 : i32
    %c0_i32_0 = arith.constant 0 : i32
    %c0_i32_1 = arith.constant 0 : i32
    return %c0_i32, %c0_i32_0 : i32, i32
  }
  func.func @transform_4(%arg0: i32) -> (i32, i32, i32) {
    %c0_i32 = arith.constant 0 : i32
    %c0_i32_0 = arith.constant 0 : i32
    %c0_i32_1 = arith.constant 0 : i32
    return %c0_i32, %arg0, %c0_i32_0 : i32, i32, i32
  }
  func.func @transform_5(%arg0: i32) -> (i32, i32, i32, i32) {
    %c0_i32 = arith.constant 0 : i32
    %c0_i32_0 = arith.constant 0 : i32
    %c0_i32_1 = arith.constant 0 : i32
    %c0_i32_2 = arith.constant 0 : i32
    return %arg0, %c0_i32, %c0_i32_0, %c0_i32_1 : i32, i32, i32, i32
  }
}

module attributes {stable_mosaic.version = 14 : i64} {
  func.func @_combine_body(%arg0: i32, %arg1: memref<2x400x144xf32, #tpu.memory_space<vmem>>, %arg2: memref<2x400x144xf32, #tpu.memory_space<vmem>>, %arg3: memref<1x2x2x400xf32, #tpu.memory_space<vmem>>, %arg4: memref<2x16xf32, #tpu.memory_space<vmem>>, %arg5: memref<1x256xf32, #tpu.memory_space<vmem>>, %arg6: memref<400x256xf32, #tpu.memory_space<vmem>>) attributes {dimension_semantics = [#tpu.dimension_semantics<arbitrary>], iteration_bounds = array<i64: 25>, scalar_prefetch = 0 : i64, scratch_operands = 0 : i64, tpu.core_type = #tpu.core_type<tc>, window_params = [{transform_indices = @transform_0, window_bounds = array<i64: 2, 400, 144>}, {transform_indices = @transform_1, window_bounds = array<i64: 2, 400, 144>}, {transform_indices = @transform_2, window_bounds = array<i64: 1, 2, 2, 400>}, {pipeline_mode = #tpu.pipeline_mode<synchronous>, transform_indices = @transform_3, window_bounds = array<i64: 2, 16>}, {pipeline_mode = #tpu.pipeline_mode<synchronous>, transform_indices = @transform_4, window_bounds = array<i64: 1, 256>}, {transform_indices = @transform_5, window_bounds = array<i64: 400, 256>}]} {
    %get3A = arith.constant 0 : index
    %get3A_0 = arith.constant 0 : index
    %get3A_1 = arith.constant 0 : index
    %get3A_2 = arith.constant 0 : index
    %get3A_3 = vector.load %arg3[%get3A, %get3A_0, %get3A_1, %get3A_2] : memref<1x2x2x400xf32, #tpu.memory_space<vmem>>, vector<1x1x1x400xf32>
    %get3A_4 = vector.shape_cast %get3A_3 : vector<1x1x1x400xf32> to vector<400xf32>
    %get3A_5 = arith.constant 0 : index
    %get3A_6 = arith.constant 0 : index
    %get3A_7 = arith.constant 1 : index
    %get3A_8 = arith.constant 0 : index
    %get3A_9 = vector.load %arg3[%get3A_5, %get3A_6, %get3A_7, %get3A_8] : memref<1x2x2x400xf32, #tpu.memory_space<vmem>>, vector<1x1x1x400xf32>
    %get3A_10 = vector.shape_cast %get3A_9 : vector<1x1x1x400xf32> to vector<400xf32>
    %add3A = arith.addf %get3A_4, %get3A_10 : vector<400xf32>
    %mul3A = arith.constant 2.000000e-01 : f32
    %mul3A_11 = vector.broadcast %mul3A : f32 to vector<400xf32>
    %mul3A_12 = arith.mulf %mul3A_11, %add3A : vector<400xf32>
    %max3A = arith.maximumf %add3A, %mul3A_12 : vector<400xf32>
    %get3A_13 = arith.constant 0 : index
    %get3A_14 = arith.constant 0 : index
    %get3A_15 = vector.load %arg4[%get3A_13, %get3A_14] : memref<2x16xf32, #tpu.memory_space<vmem>>, vector<1x1xf32>
    %get3A_16 = vector.extract %get3A_15[0, 0] : f32 from vector<1x1xf32>
    %sub3A = vector.broadcast %get3A_16 : f32 to vector<400xf32>
    %sub3A_17 = arith.subf %max3A, %sub3A : vector<400xf32>
    %exp3A = math.exp %sub3A_17 : vector<400xf32>
    %get3A_18 = arith.constant 0 : index
    %get3A_19 = arith.constant 0 : index
    %get3A_20 = arith.constant 0 : index
    %get3A_21 = vector.load %arg2[%get3A_18, %get3A_19, %get3A_20] : memref<2x400x144xf32, #tpu.memory_space<vmem>>, vector<1x400x128xf32>
    %get3A_22 = vector.shape_cast %get3A_21 : vector<1x400x128xf32> to vector<400x128xf32>
    %get3A_23 = arith.constant 0 : index
    %get3A_24 = arith.constant 0 : index
    %get3A_25 = arith.constant 0 : index
    %get3A_26 = vector.load %arg1[%get3A_23, %get3A_24, %get3A_25] : memref<2x400x144xf32, #tpu.memory_space<vmem>>, vector<1x400x128xf32>
    %get3A_27 = vector.shape_cast %get3A_26 : vector<1x400x128xf32> to vector<400x128xf32>
    %broadcast_in_dim3A = vector.shape_cast %exp3A : vector<400xf32> to vector<400x1xf32>
    %mul3A_28 = vector.broadcast %broadcast_in_dim3A : vector<400x1xf32> to vector<400x128xf32>
    %mul3A_29 = arith.mulf %mul3A_28, %get3A_22 : vector<400x128xf32>
    %add3A_30 = arith.addf %get3A_27, %mul3A_29 : vector<400x128xf32>
    %get3A_31 = arith.constant 0 : index
    %get3A_32 = arith.constant 0 : index
    %get3A_33 = arith.constant 128 : index
    %get3A_34 = vector.load %arg1[%get3A_31, %get3A_32, %get3A_33] : memref<2x400x144xf32, #tpu.memory_space<vmem>>, vector<1x400x1xf32>
    %get3A_35 = vector.shape_cast %get3A_34 : vector<1x400x1xf32> to vector<400xf32>
    %add3A_36 = arith.addf %get3A_35, %exp3A : vector<400xf32>
    %add3A_37 = arith.constant 1.000000e-16 : f32
    %add3A_38 = vector.broadcast %add3A_37 : f32 to vector<400xf32>
    %add3A_39 = arith.addf %add3A_36, %add3A_38 : vector<400xf32>
    %broadcast_in_dim3A_40 = vector.shape_cast %add3A_39 : vector<400xf32> to vector<400x1xf32>
    %div3A = vector.broadcast %broadcast_in_dim3A_40 : vector<400x1xf32> to vector<400x128xf32>
    %div3A_41 = arith.divf %add3A_30, %div3A : vector<400x128xf32>
    %get3A_42 = arith.constant 0 : index
    %get3A_43 = arith.constant 0 : index
    %get3A_44 = vector.load %arg5[%get3A_42, %get3A_43] : memref<1x256xf32, #tpu.memory_space<vmem>>, vector<1x128xf32>
    %get3A_45 = vector.shape_cast %get3A_44 : vector<1x128xf32> to vector<128xf32>
    %broadcast_in_dim3A_46 = vector.shape_cast %get3A_45 : vector<128xf32> to vector<1x128xf32>
    %add3A_47 = vector.broadcast %broadcast_in_dim3A_46 : vector<1x128xf32> to vector<400x128xf32>
    %add3A_48 = arith.addf %div3A_41, %add3A_47 : vector<400x128xf32>
    %gt3A = arith.constant 0.000000e+00 : f32
    %gt3A_49 = vector.broadcast %gt3A : f32 to vector<400x128xf32>
    %gt3A_50 = arith.cmpf ogt, %add3A_48, %gt3A_49 : vector<400x128xf32>
    %min3A = arith.constant 0.000000e+00 : f32
    %min3A_51 = vector.broadcast %min3A : f32 to vector<400x128xf32>
    %min3A_52 = arith.minimumf %add3A_48, %min3A_51 : vector<400x128xf32>
    %exp3A_53 = math.exp %min3A_52 : vector<400x128xf32>
    %sub3A_54 = arith.constant 1.000000e+00 : f32
    %sub3A_55 = vector.broadcast %sub3A_54 : f32 to vector<400x128xf32>
    %sub3A_56 = arith.subf %exp3A_53, %sub3A_55 : vector<400x128xf32>
    %select_n3A = arith.select %gt3A_50, %add3A_48, %sub3A_56 : vector<400x128xi1>, vector<400x128xf32>
    %swap3A = arith.constant 0 : index
    %swap3A_57 = arith.constant 0 : index
    %swap3A_58 = vector.load %arg6[%swap3A, %swap3A_57] : memref<400x256xf32, #tpu.memory_space<vmem>>, vector<400x128xf32>
    tpu.vector_store %arg6[%swap3A, %swap3A_57], %select_n3A {strides = array<i32>} : memref<400x256xf32, #tpu.memory_space<vmem>>, vector<400x128xf32>,
    %get3A_59 = arith.constant 0 : index
    %get3A_60 = arith.constant 1 : index
    %get3A_61 = arith.constant 0 : index
    %get3A_62 = arith.constant 0 : index
    %get3A_63 = vector.load %arg3[%get3A_59, %get3A_60, %get3A_61, %get3A_62] : memref<1x2x2x400xf32, #tpu.memory_space<vmem>>, vector<1x1x1x400xf32>
    %get3A_64 = vector.shape_cast %get3A_63 : vector<1x1x1x400xf32> to vector<400xf32>
    %get3A_65 = arith.constant 0 : index
    %get3A_66 = arith.constant 1 : index
    %get3A_67 = arith.constant 1 : index
    %get3A_68 = arith.constant 0 : index
    %get3A_69 = vector.load %arg3[%get3A_65, %get3A_66, %get3A_67, %get3A_68] : memref<1x2x2x400xf32, #tpu.memory_space<vmem>>, vector<1x1x1x400xf32>
    %get3A_70 = vector.shape_cast %get3A_69 : vector<1x1x1x400xf32> to vector<400xf32>
    %add3A_71 = arith.addf %get3A_64, %get3A_70 : vector<400xf32>
    %mul3A_72 = arith.constant 2.000000e-01 : f32
    %mul3A_73 = vector.broadcast %mul3A_72 : f32 to vector<400xf32>
    %mul3A_74 = arith.mulf %mul3A_73, %add3A_71 : vector<400xf32>
    %max3A_75 = arith.maximumf %add3A_71, %mul3A_74 : vector<400xf32>
    %get3A_76 = arith.constant 1 : index
    %get3A_77 = arith.constant 0 : index
    %get3A_78 = vector.load %arg4[%get3A_76, %get3A_77] : memref<2x16xf32, #tpu.memory_space<vmem>>, vector<1x1xf32>
    %get3A_79 = vector.extract %get3A_78[0, 0] : f32 from vector<1x1xf32>
    %sub3A_80 = vector.broadcast %get3A_79 : f32 to vector<400xf32>
    %sub3A_81 = arith.subf %max3A_75, %sub3A_80 : vector<400xf32>
    %exp3A_82 = math.exp %sub3A_81 : vector<400xf32>
    %get3A_83 = arith.constant 1 : index
    %get3A_84 = arith.constant 0 : index
    %get3A_85 = arith.constant 0 : index
    %get3A_86 = vector.load %arg2[%get3A_83, %get3A_84, %get3A_85] : memref<2x400x144xf32, #tpu.memory_space<vmem>>, vector<1x400x128xf32>
    %get3A_87 = vector.shape_cast %get3A_86 : vector<1x400x128xf32> to vector<400x128xf32>
    %get3A_88 = arith.constant 1 : index
    %get3A_89 = arith.constant 0 : index
    %get3A_90 = arith.constant 0 : index
    %get3A_91 = vector.load %arg1[%get3A_88, %get3A_89, %get3A_90] : memref<2x400x144xf32, #tpu.memory_space<vmem>>, vector<1x400x128xf32>
    %get3A_92 = vector.shape_cast %get3A_91 : vector<1x400x128xf32> to vector<400x128xf32>
    %broadcast_in_dim3A_93 = vector.shape_cast %exp3A_82 : vector<400xf32> to vector<400x1xf32>
    %mul3A_94 = vector.broadcast %broadcast_in_dim3A_93 : vector<400x1xf32> to vector<400x128xf32>
    %mul3A_95 = arith.mulf %mul3A_94, %get3A_87 : vector<400x128xf32>
    %add3A_96 = arith.addf %get3A_92, %mul3A_95 : vector<400x128xf32>
    %get3A_97 = arith.constant 1 : index
    %get3A_98 = arith.constant 0 : index
    %get3A_99 = arith.constant 128 : index
    %get3A_100 = vector.load %arg1[%get3A_97, %get3A_98, %get3A_99] : memref<2x400x144xf32, #tpu.memory_space<vmem>>, vector<1x400x1xf32>
    %get3A_101 = vector.shape_cast %get3A_100 : vector<1x400x1xf32> to vector<400xf32>
    %add3A_102 = arith.addf %get3A_101, %exp3A_82 : vector<400xf32>
    %add3A_103 = arith.constant 1.000000e-16 : f32
    %add3A_104 = vector.broadcast %add3A_103 : f32 to vector<400xf32>
    %add3A_105 = arith.addf %add3A_102, %add3A_104 : vector<400xf32>
    %broadcast_in_dim3A_106 = vector.shape_cast %add3A_105 : vector<400xf32> to vector<400x1xf32>
    %div3A_107 = vector.broadcast %broadcast_in_dim3A_106 : vector<400x1xf32> to vector<400x128xf32>
    %div3A_108 = arith.divf %add3A_96, %div3A_107 : vector<400x128xf32>
    %get3A_109 = arith.constant 0 : index
    %get3A_110 = arith.constant 128 : index
    %get3A_111 = vector.load %arg5[%get3A_109, %get3A_110] : memref<1x256xf32, #tpu.memory_space<vmem>>, vector<1x128xf32>
    %get3A_112 = vector.shape_cast %get3A_111 : vector<1x128xf32> to vector<128xf32>
    %broadcast_in_dim3A_113 = vector.shape_cast %get3A_112 : vector<128xf32> to vector<1x128xf32>
    %add3A_114 = vector.broadcast %broadcast_in_dim3A_113 : vector<1x128xf32> to vector<400x128xf32>
    %add3A_115 = arith.addf %div3A_108, %add3A_114 : vector<400x128xf32>
    %gt3A_116 = arith.constant 0.000000e+00 : f32
    %gt3A_117 = vector.broadcast %gt3A_116 : f32 to vector<400x128xf32>
    %gt3A_118 = arith.cmpf ogt, %add3A_115, %gt3A_117 : vector<400x128xf32>
    %min3A_119 = arith.constant 0.000000e+00 : f32
    %min3A_120 = vector.broadcast %min3A_119 : f32 to vector<400x128xf32>
    %min3A_121 = arith.minimumf %add3A_115, %min3A_120 : vector<400x128xf32>
    %exp3A_122 = math.exp %min3A_121 : vector<400x128xf32>
    %sub3A_123 = arith.constant 1.000000e+00 : f32
    %sub3A_124 = vector.broadcast %sub3A_123 : f32 to vector<400x128xf32>
    %sub3A_125 = arith.subf %exp3A_122, %sub3A_124 : vector<400x128xf32>
    %select_n3A_126 = arith.select %gt3A_118, %add3A_115, %sub3A_125 : vector<400x128xi1>, vector<400x128xf32>
    %swap3A_127 = arith.constant 0 : index
    %swap3A_128 = arith.constant 128 : index
    %swap3A_129 = vector.load %arg6[%swap3A_127, %swap3A_128] : memref<400x256xf32, #tpu.memory_space<vmem>>, vector<400x128xf32>
    tpu.vector_store %arg6[%swap3A_127, %swap3A_128], %select_n3A_126 {strides = array<i32>} : memref<400x256xf32, #tpu.memory_space<vmem>>, vector<400x128xf32>,
    return
  }
  func.func @transform_0(%arg0: i32) -> (i32, i32, i32) {
    %c0_i32 = arith.constant 0 : i32
    %c0_i32_0 = arith.constant 0 : i32
    %c0_i32_1 = arith.constant 0 : i32
    return %c0_i32, %arg0, %c0_i32_0 : i32, i32, i32
  }
  func.func @transform_1(%arg0: i32) -> (i32, i32, i32) {
    %c0_i32 = arith.constant 0 : i32
    %c0_i32_0 = arith.constant 0 : i32
    %c0_i32_1 = arith.constant 0 : i32
    return %c0_i32, %arg0, %c0_i32_0 : i32, i32, i32
  }
  func.func @transform_2(%arg0: i32) -> (i32, i32, i32, i32) {
    %c0_i32 = arith.constant 0 : i32
    %c0_i32_0 = arith.constant 0 : i32
    %c0_i32_1 = arith.constant 0 : i32
    %c0_i32_2 = arith.constant 0 : i32
    return %arg0, %c0_i32, %c0_i32_0, %c0_i32_1 : i32, i32, i32, i32
  }
  func.func @transform_3(%arg0: i32) -> (i32, i32) {
    %c0_i32 = arith.constant 0 : i32
    %c0_i32_0 = arith.constant 0 : i32
    %c0_i32_1 = arith.constant 0 : i32
    return %c0_i32, %c0_i32_0 : i32, i32
  }
  func.func @transform_4(%arg0: i32) -> (i32, i32) {
    %c0_i32 = arith.constant 0 : i32
    %c0_i32_0 = arith.constant 0 : i32
    %c0_i32_1 = arith.constant 0 : i32
    return %c0_i32, %c0_i32_0 : i32, i32
  }
  func.func @transform_5(%arg0: i32) -> (i32, i32) {
    %c0_i32 = arith.constant 0 : i32
    %c0_i32_0 = arith.constant 0 : i32
    return %arg0, %c0_i32 : i32, i32
  }
}

module attributes {stable_mosaic.version = 14 : i64} {
  func.func @_prep_body(%arg0: i32, %arg1: memref<400x256xf32, #tpu.memory_space<vmem>>, %arg2: memref<256x128xf32, #tpu.memory_space<vmem>>, %arg3: memref<2x64xf32, #tpu.memory_space<vmem>>, %arg4: memref<2x64xf32, #tpu.memory_space<vmem>>, %arg5: memref<2x400x80xf32, #tpu.memory_space<vmem>>, %arg6: memref<1x2x2x400xf32, #tpu.memory_space<vmem>>) attributes {dimension_semantics = [#tpu.dimension_semantics<arbitrary>], iteration_bounds = array<i64: 25>, scalar_prefetch = 0 : i64, scratch_operands = 0 : i64, tpu.core_type = #tpu.core_type<tc>, window_params = [{transform_indices = @transform_0, window_bounds = array<i64: 400, 256>}, {pipeline_mode = #tpu.pipeline_mode<synchronous>, transform_indices = @transform_1, window_bounds = array<i64: 256, 128>}, {pipeline_mode = #tpu.pipeline_mode<synchronous>, transform_indices = @transform_2, window_bounds = array<i64: 2, 64>}, {pipeline_mode = #tpu.pipeline_mode<synchronous>, transform_indices = @transform_3, window_bounds = array<i64: 2, 64>}, {transform_indices = @transform_4, window_bounds = array<i64: 2, 400, 80>}, {transform_indices = @transform_5, window_bounds = array<i64: 1, 2, 2, 400>}]} {
    %get3A = arith.constant 0 : index
    %get3A_0 = arith.constant 0 : index
    %get3A_1 = vector.load %arg1[%get3A, %get3A_0] : memref<400x256xf32, #tpu.memory_space<vmem>>, vector<400x256xf32>
    %get3A_2 = arith.constant 0 : index
    %get3A_3 = arith.constant 0 : index
    %get3A_4 = vector.load %arg2[%get3A_2, %get3A_3] : memref<256x128xf32, #tpu.memory_space<vmem>>, vector<256x128xf32>
    %dot_general3A = arith.constant dense<0.000000e+00> : vector<400x128xf32>
    %dot_general3A_5 = tpu.matmul %get3A_1, %get3A_4, %dot_general3A {dimension_numbers = #tpu.dot_dimension_numbers<[1], [0], [0], [1], [0, 0, 1, 1], [], []>, precision = #tpu.contract_precision<fp32>, transpose_lhs_hint = false} : vector<400x256xf32>, vector<256x128xf32>, vector<400x128xf32> -> vector<400x128xf32>
    %slice3A = vector.extract_strided_slice %dot_general3A_5 {offsets = [0, 0], sizes = [400, 64], strides = [1, 1]} : vector<400x128xf32> to vector<400x64xf32>
    %broadcast_in_dim3A = arith.constant 1.000000e+00 : f32
    %broadcast_in_dim3A_6 = vector.broadcast %broadcast_in_dim3A : f32 to vector<400x1xf32>
    %broadcast_in_dim3A_7 = arith.constant 0.000000e+00 : f32
    %broadcast_in_dim3A_8 = vector.broadcast %broadcast_in_dim3A_7 : f32 to vector<400x15xf32>
    %concatenate3A = tpu.concatenate %slice3A, %broadcast_in_dim3A_6, %broadcast_in_dim3A_8 in 1 : vector<400x64xf32>, vector<400x1xf32>, vector<400x15xf32> -> vector<400x80xf32>
    %swap3A = arith.constant 0 : index
    %swap3A_9 = arith.constant 0 : index
    %swap3A_10 = arith.constant 0 : index
    %swap3A_11 = vector.load %arg5[%swap3A, %swap3A_9, %swap3A_10] : memref<2x400x80xf32, #tpu.memory_space<vmem>>, vector<1x400x80xf32>
    %swap3A_12 = vector.shape_cast %swap3A_11 : vector<1x400x80xf32> to vector<400x80xf32>
    %swap3A_13 = vector.shape_cast %concatenate3A : vector<400x80xf32> to vector<1x400x80xf32>
    tpu.vector_store %arg5[%swap3A, %swap3A_9, %swap3A_10], %swap3A_13 {strides = array<i32>} : memref<2x400x80xf32, #tpu.memory_space<vmem>>, vector<1x400x80xf32>,
    %get3A_14 = arith.constant 0 : index
    %get3A_15 = arith.constant 0 : index
    %get3A_16 = vector.load %arg3[%get3A_14, %get3A_15] : memref<2x64xf32, #tpu.memory_space<vmem>>, vector<1x64xf32>
    %get3A_17 = vector.shape_cast %get3A_16 : vector<1x64xf32> to vector<64xf32>
    %broadcast_in_dim3A_18 = vector.shape_cast %get3A_17 : vector<64xf32> to vector<1x64xf32>
    %mul3A = vector.broadcast %broadcast_in_dim3A_18 : vector<1x64xf32> to vector<400x64xf32>
    %mul3A_19 = arith.mulf %slice3A, %mul3A : vector<400x64xf32>
    %reduce_sum3A = arith.constant dense<0.000000e+00> : vector<400xf32>
    %reduce_sum3A_20 = vector.multi_reduction <add>, %mul3A_19, %reduce_sum3A [1] : vector<400x64xf32> to vector<400xf32>
    %swap3A_21 = arith.constant 0 : index
    %swap3A_22 = arith.constant 0 : index
    %swap3A_23 = arith.constant 0 : index
    %swap3A_24 = arith.constant 0 : index
    %swap3A_25 = vector.load %arg6[%swap3A_21, %swap3A_22, %swap3A_23, %swap3A_24] : memref<1x2x2x400xf32, #tpu.memory_space<vmem>>, vector<1x1x1x400xf32>
    %swap3A_26 = vector.shape_cast %swap3A_25 : vector<1x1x1x400xf32> to vector<400xf32>
    %swap3A_27 = vector.shape_cast %reduce_sum3A_20 : vector<400xf32> to vector<1x1x1x400xf32>
    tpu.vector_store %arg6[%swap3A_21, %swap3A_22, %swap3A_23, %swap3A_24], %swap3A_27 {strides = array<i32>} : memref<1x2x2x400xf32, #tpu.memory_space<vmem>>, vector<1x1x1x400xf32>,
    %get3A_28 = arith.constant 0 : index
    %get3A_29 = arith.constant 0 : index
    %get3A_30 = vector.load %arg4[%get3A_28, %get3A_29] : memref<2x64xf32, #tpu.memory_space<vmem>>, vector<1x64xf32>
    %get3A_31 = vector.shape_cast %get3A_30 : vector<1x64xf32> to vector<64xf32>
    %broadcast_in_dim3A_32 = vector.shape_cast %get3A_31 : vector<64xf32> to vector<1x64xf32>
    %mul3A_33 = vector.broadcast %broadcast_in_dim3A_32 : vector<1x64xf32> to vector<400x64xf32>
    %mul3A_34 = arith.mulf %slice3A, %mul3A_33 : vector<400x64xf32>
    %reduce_sum3A_35 = arith.constant dense<0.000000e+00> : vector<400xf32>
    %reduce_sum3A_36 = vector.multi_reduction <add>, %mul3A_34, %reduce_sum3A_35 [1] : vector<400x64xf32> to vector<400xf32>
    %swap3A_37 = arith.constant 0 : index
    %swap3A_38 = arith.constant 0 : index
    %swap3A_39 = arith.constant 1 : index
    %swap3A_40 = arith.constant 0 : index
    %swap3A_41 = vector.load %arg6[%swap3A_37, %swap3A_38, %swap3A_39, %swap3A_40] : memref<1x2x2x400xf32, #tpu.memory_space<vmem>>, vector<1x1x1x400xf32>
    %swap3A_42 = vector.shape_cast %swap3A_41 : vector<1x1x1x400xf32> to vector<400xf32>
    %swap3A_43 = vector.shape_cast %reduce_sum3A_36 : vector<400xf32> to vector<1x1x1x400xf32>
    tpu.vector_store %arg6[%swap3A_37, %swap3A_38, %swap3A_39, %swap3A_40], %swap3A_43 {strides = array<i32>} : memref<1x2x2x400xf32, #tpu.memory_space<vmem>>, vector<1x1x1x400xf32>,
    %slice3A_44 = vector.extract_strided_slice %dot_general3A_5 {offsets = [0, 64], sizes = [400, 64], strides = [1, 1]} : vector<400x128xf32> to vector<400x64xf32>
    %broadcast_in_dim3A_45 = arith.constant 1.000000e+00 : f32
    %broadcast_in_dim3A_46 = vector.broadcast %broadcast_in_dim3A_45 : f32 to vector<400x1xf32>
    %broadcast_in_dim3A_47 = arith.constant 0.000000e+00 : f32
    %broadcast_in_dim3A_48 = vector.broadcast %broadcast_in_dim3A_47 : f32 to vector<400x15xf32>
    %concatenate3A_49 = tpu.concatenate %slice3A_44, %broadcast_in_dim3A_46, %broadcast_in_dim3A_48 in 1 : vector<400x64xf32>, vector<400x1xf32>, vector<400x15xf32> -> vector<400x80xf32>
    %swap3A_50 = arith.constant 1 : index
    %swap3A_51 = arith.constant 0 : index
    %swap3A_52 = arith.constant 0 : index
    %swap3A_53 = vector.load %arg5[%swap3A_50, %swap3A_51, %swap3A_52] : memref<2x400x80xf32, #tpu.memory_space<vmem>>, vector<1x400x80xf32>
    %swap3A_54 = vector.shape_cast %swap3A_53 : vector<1x400x80xf32> to vector<400x80xf32>
    %swap3A_55 = vector.shape_cast %concatenate3A_49 : vector<400x80xf32> to vector<1x400x80xf32>
    tpu.vector_store %arg5[%swap3A_50, %swap3A_51, %swap3A_52], %swap3A_55 {strides = array<i32>} : memref<2x400x80xf32, #tpu.memory_space<vmem>>, vector<1x400x80xf32>,
    %get3A_56 = arith.constant 1 : index
    %get3A_57 = arith.constant 0 : index
    %get3A_58 = vector.load %arg3[%get3A_56, %get3A_57] : memref<2x64xf32, #tpu.memory_space<vmem>>, vector<1x64xf32>
    %get3A_59 = vector.shape_cast %get3A_58 : vector<1x64xf32> to vector<64xf32>
    %broadcast_in_dim3A_60 = vector.shape_cast %get3A_59 : vector<64xf32> to vector<1x64xf32>
    %mul3A_61 = vector.broadcast %broadcast_in_dim3A_60 : vector<1x64xf32> to vector<400x64xf32>
    %mul3A_62 = arith.mulf %slice3A_44, %mul3A_61 : vector<400x64xf32>
    %reduce_sum3A_63 = arith.constant dense<0.000000e+00> : vector<400xf32>
    %reduce_sum3A_64 = vector.multi_reduction <add>, %mul3A_62, %reduce_sum3A_63 [1] : vector<400x64xf32> to vector<400xf32>
    %swap3A_65 = arith.constant 0 : index
    %swap3A_66 = arith.constant 1 : index
    %swap3A_67 = arith.constant 0 : index
    %swap3A_68 = arith.constant 0 : index
    %swap3A_69 = vector.load %arg6[%swap3A_65, %swap3A_66, %swap3A_67, %swap3A_68] : memref<1x2x2x400xf32, #tpu.memory_space<vmem>>, vector<1x1x1x400xf32>
    %swap3A_70 = vector.shape_cast %swap3A_69 : vector<1x1x1x400xf32> to vector<400xf32>
    %swap3A_71 = vector.shape_cast %reduce_sum3A_64 : vector<400xf32> to vector<1x1x1x400xf32>
    tpu.vector_store %arg6[%swap3A_65, %swap3A_66, %swap3A_67, %swap3A_68], %swap3A_71 {strides = array<i32>} : memref<1x2x2x400xf32, #tpu.memory_space<vmem>>, vector<1x1x1x400xf32>,
    %get3A_72 = arith.constant 1 : index
    %get3A_73 = arith.constant 0 : index
    %get3A_74 = vector.load %arg4[%get3A_72, %get3A_73] : memref<2x64xf32, #tpu.memory_space<vmem>>, vector<1x64xf32>
    %get3A_75 = vector.shape_cast %get3A_74 : vector<1x64xf32> to vector<64xf32>
    %broadcast_in_dim3A_76 = vector.shape_cast %get3A_75 : vector<64xf32> to vector<1x64xf32>
    %mul3A_77 = vector.broadcast %broadcast_in_dim3A_76 : vector<1x64xf32> to vector<400x64xf32>
    %mul3A_78 = arith.mulf %slice3A_44, %mul3A_77 : vector<400x64xf32>
    %reduce_sum3A_79 = arith.constant dense<0.000000e+00> : vector<400xf32>
    %reduce_sum3A_80 = vector.multi_reduction <add>, %mul3A_78, %reduce_sum3A_79 [1] : vector<400x64xf32> to vector<400xf32>
    %swap3A_81 = arith.constant 0 : index
    %swap3A_82 = arith.constant 1 : index
    %swap3A_83 = arith.constant 1 : index
    %swap3A_84 = arith.constant 0 : index
    %swap3A_85 = vector.load %arg6[%swap3A_81, %swap3A_82, %swap3A_83, %swap3A_84] : memref<1x2x2x400xf32, #tpu.memory_space<vmem>>, vector<1x1x1x400xf32>
    %swap3A_86 = vector.shape_cast %swap3A_85 : vector<1x1x1x400xf32> to vector<400xf32>
    %swap3A_87 = vector.shape_cast %reduce_sum3A_80 : vector<400xf32> to vector<1x1x1x400xf32>
    tpu.vector_store %arg6[%swap3A_81, %swap3A_82, %swap3A_83, %swap3A_84], %swap3A_87 {strides = array<i32>} : memref<1x2x2x400xf32, #tpu.memory_space<vmem>>, vector<1x1x1x400xf32>,
    return
  }
  func.func @transform_0(%arg0: i32) -> (i32, i32) {
    %c0_i32 = arith.constant 0 : i32
    %c0_i32_0 = arith.constant 0 : i32
    return %arg0, %c0_i32 : i32, i32
  }
  func.func @transform_1(%arg0: i32) -> (i32, i32) {
    %c0_i32 = arith.constant 0 : i32
    %c0_i32_0 = arith.constant 0 : i32
    %c0_i32_1 = arith.constant 0 : i32
    return %c0_i32, %c0_i32_0 : i32, i32
  }
  func.func @transform_2(%arg0: i32) -> (i32, i32) {
    %c0_i32 = arith.constant 0 : i32
    %c0_i32_0 = arith.constant 0 : i32
    %c0_i32_1 = arith.constant 0 : i32
    return %c0_i32, %c0_i32_0 : i32, i32
  }
  func.func @transform_3(%arg0: i32) -> (i32, i32) {
    %c0_i32 = arith.constant 0 : i32
    %c0_i32_0 = arith.constant 0 : i32
    %c0_i32_1 = arith.constant 0 : i32
    return %c0_i32, %c0_i32_0 : i32, i32
  }
  func.func @transform_4(%arg0: i32) -> (i32, i32, i32) {
    %c0_i32 = arith.constant 0 : i32
    %c0_i32_0 = arith.constant 0 : i32
    %c0_i32_1 = arith.constant 0 : i32
    return %c0_i32, %arg0, %c0_i32_0 : i32, i32, i32
  }
  func.func @transform_5(%arg0: i32) -> (i32, i32, i32, i32) {
    %c0_i32 = arith.constant 0 : i32
    %c0_i32_0 = arith.constant 0 : i32
    %c0_i32_1 = arith.constant 0 : i32
    %c0_i32_2 = arith.constant 0 : i32
    return %arg0, %c0_i32, %c0_i32_0, %c0_i32_1 : i32, i32, i32, i32
  }
}

module attributes {stable_mosaic.version = 14 : i64} {
  func.func @_combine_body(%arg0: i32, %arg1: memref<2x400x80xf32, #tpu.memory_space<vmem>>, %arg2: memref<2x400x80xf32, #tpu.memory_space<vmem>>, %arg3: memref<1x2x2x400xf32, #tpu.memory_space<vmem>>, %arg4: memref<2x16xf32, #tpu.memory_space<vmem>>, %arg5: memref<1x128xf32, #tpu.memory_space<vmem>>, %arg6: memref<400x128xf32, #tpu.memory_space<vmem>>) attributes {dimension_semantics = [#tpu.dimension_semantics<arbitrary>], iteration_bounds = array<i64: 25>, scalar_prefetch = 0 : i64, scratch_operands = 0 : i64, tpu.core_type = #tpu.core_type<tc>, window_params = [{transform_indices = @transform_0, window_bounds = array<i64: 2, 400, 80>}, {transform_indices = @transform_1, window_bounds = array<i64: 2, 400, 80>}, {transform_indices = @transform_2, window_bounds = array<i64: 1, 2, 2, 400>}, {pipeline_mode = #tpu.pipeline_mode<synchronous>, transform_indices = @transform_3, window_bounds = array<i64: 2, 16>}, {pipeline_mode = #tpu.pipeline_mode<synchronous>, transform_indices = @transform_4, window_bounds = array<i64: 1, 128>}, {transform_indices = @transform_5, window_bounds = array<i64: 400, 128>}]} {
    %get3A = arith.constant 0 : index
    %get3A_0 = arith.constant 0 : index
    %get3A_1 = arith.constant 0 : index
    %get3A_2 = arith.constant 0 : index
    %get3A_3 = vector.load %arg3[%get3A, %get3A_0, %get3A_1, %get3A_2] : memref<1x2x2x400xf32, #tpu.memory_space<vmem>>, vector<1x1x1x400xf32>
    %get3A_4 = vector.shape_cast %get3A_3 : vector<1x1x1x400xf32> to vector<400xf32>
    %get3A_5 = arith.constant 0 : index
    %get3A_6 = arith.constant 0 : index
    %get3A_7 = arith.constant 1 : index
    %get3A_8 = arith.constant 0 : index
    %get3A_9 = vector.load %arg3[%get3A_5, %get3A_6, %get3A_7, %get3A_8] : memref<1x2x2x400xf32, #tpu.memory_space<vmem>>, vector<1x1x1x400xf32>
    %get3A_10 = vector.shape_cast %get3A_9 : vector<1x1x1x400xf32> to vector<400xf32>
    %add3A = arith.addf %get3A_4, %get3A_10 : vector<400xf32>
    %mul3A = arith.constant 2.000000e-01 : f32
    %mul3A_11 = vector.broadcast %mul3A : f32 to vector<400xf32>
    %mul3A_12 = arith.mulf %mul3A_11, %add3A : vector<400xf32>
    %max3A = arith.maximumf %add3A, %mul3A_12 : vector<400xf32>
    %get3A_13 = arith.constant 0 : index
    %get3A_14 = arith.constant 0 : index
    %get3A_15 = vector.load %arg4[%get3A_13, %get3A_14] : memref<2x16xf32, #tpu.memory_space<vmem>>, vector<1x1xf32>
    %get3A_16 = vector.extract %get3A_15[0, 0] : f32 from vector<1x1xf32>
    %sub3A = vector.broadcast %get3A_16 : f32 to vector<400xf32>
    %sub3A_17 = arith.subf %max3A, %sub3A : vector<400xf32>
    %exp3A = math.exp %sub3A_17 : vector<400xf32>
    %get3A_18 = arith.constant 0 : index
    %get3A_19 = arith.constant 0 : index
    %get3A_20 = arith.constant 0 : index
    %get3A_21 = vector.load %arg2[%get3A_18, %get3A_19, %get3A_20] : memref<2x400x80xf32, #tpu.memory_space<vmem>>, vector<1x400x64xf32>
    %get3A_22 = vector.shape_cast %get3A_21 : vector<1x400x64xf32> to vector<400x64xf32>
    %get3A_23 = arith.constant 0 : index
    %get3A_24 = arith.constant 0 : index
    %get3A_25 = arith.constant 0 : index
    %get3A_26 = vector.load %arg1[%get3A_23, %get3A_24, %get3A_25] : memref<2x400x80xf32, #tpu.memory_space<vmem>>, vector<1x400x64xf32>
    %get3A_27 = vector.shape_cast %get3A_26 : vector<1x400x64xf32> to vector<400x64xf32>
    %broadcast_in_dim3A = vector.shape_cast %exp3A : vector<400xf32> to vector<400x1xf32>
    %mul3A_28 = vector.broadcast %broadcast_in_dim3A : vector<400x1xf32> to vector<400x64xf32>
    %mul3A_29 = arith.mulf %mul3A_28, %get3A_22 : vector<400x64xf32>
    %add3A_30 = arith.addf %get3A_27, %mul3A_29 : vector<400x64xf32>
    %get3A_31 = arith.constant 0 : index
    %get3A_32 = arith.constant 0 : index
    %get3A_33 = arith.constant 64 : index
    %get3A_34 = vector.load %arg1[%get3A_31, %get3A_32, %get3A_33] : memref<2x400x80xf32, #tpu.memory_space<vmem>>, vector<1x400x1xf32>
    %get3A_35 = vector.shape_cast %get3A_34 : vector<1x400x1xf32> to vector<400xf32>
    %add3A_36 = arith.addf %get3A_35, %exp3A : vector<400xf32>
    %add3A_37 = arith.constant 1.000000e-16 : f32
    %add3A_38 = vector.broadcast %add3A_37 : f32 to vector<400xf32>
    %add3A_39 = arith.addf %add3A_36, %add3A_38 : vector<400xf32>
    %broadcast_in_dim3A_40 = vector.shape_cast %add3A_39 : vector<400xf32> to vector<400x1xf32>
    %div3A = vector.broadcast %broadcast_in_dim3A_40 : vector<400x1xf32> to vector<400x64xf32>
    %div3A_41 = arith.divf %add3A_30, %div3A : vector<400x64xf32>
    %get3A_42 = arith.constant 0 : index
    %get3A_43 = arith.constant 0 : index
    %get3A_44 = vector.load %arg5[%get3A_42, %get3A_43] : memref<1x128xf32, #tpu.memory_space<vmem>>, vector<1x64xf32>
    %get3A_45 = vector.shape_cast %get3A_44 : vector<1x64xf32> to vector<64xf32>
    %broadcast_in_dim3A_46 = vector.shape_cast %get3A_45 : vector<64xf32> to vector<1x64xf32>
    %add3A_47 = vector.broadcast %broadcast_in_dim3A_46 : vector<1x64xf32> to vector<400x64xf32>
    %add3A_48 = arith.addf %div3A_41, %add3A_47 : vector<400x64xf32>
    %gt3A = arith.constant 0.000000e+00 : f32
    %gt3A_49 = vector.broadcast %gt3A : f32 to vector<400x64xf32>
    %gt3A_50 = arith.cmpf ogt, %add3A_48, %gt3A_49 : vector<400x64xf32>
    %min3A = arith.constant 0.000000e+00 : f32
    %min3A_51 = vector.broadcast %min3A : f32 to vector<400x64xf32>
    %min3A_52 = arith.minimumf %add3A_48, %min3A_51 : vector<400x64xf32>
    %exp3A_53 = math.exp %min3A_52 : vector<400x64xf32>
    %sub3A_54 = arith.constant 1.000000e+00 : f32
    %sub3A_55 = vector.broadcast %sub3A_54 : f32 to vector<400x64xf32>
    %sub3A_56 = arith.subf %exp3A_53, %sub3A_55 : vector<400x64xf32>
    %select_n3A = arith.select %gt3A_50, %add3A_48, %sub3A_56 : vector<400x64xi1>, vector<400x64xf32>
    %swap3A = arith.constant 0 : index
    %swap3A_57 = arith.constant 0 : index
    %swap3A_58 = vector.load %arg6[%swap3A, %swap3A_57] : memref<400x128xf32, #tpu.memory_space<vmem>>, vector<400x64xf32>
    tpu.vector_store %arg6[%swap3A, %swap3A_57], %select_n3A {strides = array<i32>} : memref<400x128xf32, #tpu.memory_space<vmem>>, vector<400x64xf32>,
    %get3A_59 = arith.constant 0 : index
    %get3A_60 = arith.constant 1 : index
    %get3A_61 = arith.constant 0 : index
    %get3A_62 = arith.constant 0 : index
    %get3A_63 = vector.load %arg3[%get3A_59, %get3A_60, %get3A_61, %get3A_62] : memref<1x2x2x400xf32, #tpu.memory_space<vmem>>, vector<1x1x1x400xf32>
    %get3A_64 = vector.shape_cast %get3A_63 : vector<1x1x1x400xf32> to vector<400xf32>
    %get3A_65 = arith.constant 0 : index
    %get3A_66 = arith.constant 1 : index
    %get3A_67 = arith.constant 1 : index
    %get3A_68 = arith.constant 0 : index
    %get3A_69 = vector.load %arg3[%get3A_65, %get3A_66, %get3A_67, %get3A_68] : memref<1x2x2x400xf32, #tpu.memory_space<vmem>>, vector<1x1x1x400xf32>
    %get3A_70 = vector.shape_cast %get3A_69 : vector<1x1x1x400xf32> to vector<400xf32>
    %add3A_71 = arith.addf %get3A_64, %get3A_70 : vector<400xf32>
    %mul3A_72 = arith.constant 2.000000e-01 : f32
    %mul3A_73 = vector.broadcast %mul3A_72 : f32 to vector<400xf32>
    %mul3A_74 = arith.mulf %mul3A_73, %add3A_71 : vector<400xf32>
    %max3A_75 = arith.maximumf %add3A_71, %mul3A_74 : vector<400xf32>
    %get3A_76 = arith.constant 1 : index
    %get3A_77 = arith.constant 0 : index
    %get3A_78 = vector.load %arg4[%get3A_76, %get3A_77] : memref<2x16xf32, #tpu.memory_space<vmem>>, vector<1x1xf32>
    %get3A_79 = vector.extract %get3A_78[0, 0] : f32 from vector<1x1xf32>
    %sub3A_80 = vector.broadcast %get3A_79 : f32 to vector<400xf32>
    %sub3A_81 = arith.subf %max3A_75, %sub3A_80 : vector<400xf32>
    %exp3A_82 = math.exp %sub3A_81 : vector<400xf32>
    %get3A_83 = arith.constant 1 : index
    %get3A_84 = arith.constant 0 : index
    %get3A_85 = arith.constant 0 : index
    %get3A_86 = vector.load %arg2[%get3A_83, %get3A_84, %get3A_85] : memref<2x400x80xf32, #tpu.memory_space<vmem>>, vector<1x400x64xf32>
    %get3A_87 = vector.shape_cast %get3A_86 : vector<1x400x64xf32> to vector<400x64xf32>
    %get3A_88 = arith.constant 1 : index
    %get3A_89 = arith.constant 0 : index
    %get3A_90 = arith.constant 0 : index
    %get3A_91 = vector.load %arg1[%get3A_88, %get3A_89, %get3A_90] : memref<2x400x80xf32, #tpu.memory_space<vmem>>, vector<1x400x64xf32>
    %get3A_92 = vector.shape_cast %get3A_91 : vector<1x400x64xf32> to vector<400x64xf32>
    %broadcast_in_dim3A_93 = vector.shape_cast %exp3A_82 : vector<400xf32> to vector<400x1xf32>
    %mul3A_94 = vector.broadcast %broadcast_in_dim3A_93 : vector<400x1xf32> to vector<400x64xf32>
    %mul3A_95 = arith.mulf %mul3A_94, %get3A_87 : vector<400x64xf32>
    %add3A_96 = arith.addf %get3A_92, %mul3A_95 : vector<400x64xf32>
    %get3A_97 = arith.constant 1 : index
    %get3A_98 = arith.constant 0 : index
    %get3A_99 = arith.constant 64 : index
    %get3A_100 = vector.load %arg1[%get3A_97, %get3A_98, %get3A_99] : memref<2x400x80xf32, #tpu.memory_space<vmem>>, vector<1x400x1xf32>
    %get3A_101 = vector.shape_cast %get3A_100 : vector<1x400x1xf32> to vector<400xf32>
    %add3A_102 = arith.addf %get3A_101, %exp3A_82 : vector<400xf32>
    %add3A_103 = arith.constant 1.000000e-16 : f32
    %add3A_104 = vector.broadcast %add3A_103 : f32 to vector<400xf32>
    %add3A_105 = arith.addf %add3A_102, %add3A_104 : vector<400xf32>
    %broadcast_in_dim3A_106 = vector.shape_cast %add3A_105 : vector<400xf32> to vector<400x1xf32>
    %div3A_107 = vector.broadcast %broadcast_in_dim3A_106 : vector<400x1xf32> to vector<400x64xf32>
    %div3A_108 = arith.divf %add3A_96, %div3A_107 : vector<400x64xf32>
    %get3A_109 = arith.constant 0 : index
    %get3A_110 = arith.constant 64 : index
    %get3A_111 = vector.load %arg5[%get3A_109, %get3A_110] : memref<1x128xf32, #tpu.memory_space<vmem>>, vector<1x64xf32>
    %get3A_112 = vector.shape_cast %get3A_111 : vector<1x64xf32> to vector<64xf32>
    %broadcast_in_dim3A_113 = vector.shape_cast %get3A_112 : vector<64xf32> to vector<1x64xf32>
    %add3A_114 = vector.broadcast %broadcast_in_dim3A_113 : vector<1x64xf32> to vector<400x64xf32>
    %add3A_115 = arith.addf %div3A_108, %add3A_114 : vector<400x64xf32>
    %gt3A_116 = arith.constant 0.000000e+00 : f32
    %gt3A_117 = vector.broadcast %gt3A_116 : f32 to vector<400x64xf32>
    %gt3A_118 = arith.cmpf ogt, %add3A_115, %gt3A_117 : vector<400x64xf32>
    %min3A_119 = arith.constant 0.000000e+00 : f32
    %min3A_120 = vector.broadcast %min3A_119 : f32 to vector<400x64xf32>
    %min3A_121 = arith.minimumf %add3A_115, %min3A_120 : vector<400x64xf32>
    %exp3A_122 = math.exp %min3A_121 : vector<400x64xf32>
    %sub3A_123 = arith.constant 1.000000e+00 : f32
    %sub3A_124 = vector.broadcast %sub3A_123 : f32 to vector<400x64xf32>
    %sub3A_125 = arith.subf %exp3A_122, %sub3A_124 : vector<400x64xf32>
    %select_n3A_126 = arith.select %gt3A_118, %add3A_115, %sub3A_125 : vector<400x64xi1>, vector<400x64xf32>
    %swap3A_127 = arith.constant 0 : index
    %swap3A_128 = arith.constant 64 : index
    %swap3A_129 = vector.load %arg6[%swap3A_127, %swap3A_128] : memref<400x128xf32, #tpu.memory_space<vmem>>, vector<400x64xf32>
    tpu.vector_store %arg6[%swap3A_127, %swap3A_128], %select_n3A_126 {strides = array<i32>} : memref<400x128xf32, #tpu.memory_space<vmem>>, vector<400x64xf32>,
    return
  }
  func.func @transform_0(%arg0: i32) -> (i32, i32, i32) {
    %c0_i32 = arith.constant 0 : i32
    %c0_i32_0 = arith.constant 0 : i32
    %c0_i32_1 = arith.constant 0 : i32
    return %c0_i32, %arg0, %c0_i32_0 : i32, i32, i32
  }
  func.func @transform_1(%arg0: i32) -> (i32, i32, i32) {
    %c0_i32 = arith.constant 0 : i32
    %c0_i32_0 = arith.constant 0 : i32
    %c0_i32_1 = arith.constant 0 : i32
    return %c0_i32, %arg0, %c0_i32_0 : i32, i32, i32
  }
  func.func @transform_2(%arg0: i32) -> (i32, i32, i32, i32) {
    %c0_i32 = arith.constant 0 : i32
    %c0_i32_0 = arith.constant 0 : i32
    %c0_i32_1 = arith.constant 0 : i32
    %c0_i32_2 = arith.constant 0 : i32
    return %arg0, %c0_i32, %c0_i32_0, %c0_i32_1 : i32, i32, i32, i32
  }
  func.func @transform_3(%arg0: i32) -> (i32, i32) {
    %c0_i32 = arith.constant 0 : i32
    %c0_i32_0 = arith.constant 0 : i32
    %c0_i32_1 = arith.constant 0 : i32
    return %c0_i32, %c0_i32_0 : i32, i32
  }
  func.func @transform_4(%arg0: i32) -> (i32, i32) {
    %c0_i32 = arith.constant 0 : i32
    %c0_i32_0 = arith.constant 0 : i32
    %c0_i32_1 = arith.constant 0 : i32
    return %c0_i32, %c0_i32_0 : i32, i32
  }
  func.func @transform_5(%arg0: i32) -> (i32, i32) {
    %c0_i32 = arith.constant 0 : i32
    %c0_i32_0 = arith.constant 0 : i32
    return %arg0, %c0_i32 : i32, i32
  }
}

</mosaic_0001>

<sc_bundles>
// kernel: kernel.10.cloned.1.call-start
scs
__scs_entry_jumppad:
0x0: {  	(pc) =	sbr.rel $0x88, $3  }
0x1: {  	(tag) =	ssettag $0x0;
	lr =	simm.s32 $0x1  }
0x2: {  	[smem:$0x3F97] =	sst lr;
	_ =	strace $0xD0000000  }
0x3: {  	_ = 	snop  }
0x4: {  	_ = 	snop  }
0x5: {  	_ = 	snop  }
0x6: {  	_ = 	snop  }
0x7: {  	_ = 	snop  }
__scs_overlays_trampoline_lowered:
0x8: {  	[smem:$0x3FA6] =	sst s0  }
0x9: {  	[smem:$0x3FA7] =	sst s1  }
0xa: {  	[smem:$0x3FA8] =	sst s2  }
0xb: {  	[smem:$0x3FA9] =	sst s3  }
0xc: {  	[smem:$0x3FAA] =	sst s4  }
0xd: {  	[smem:$0x3FAB] =	sst s5  }
0xe: {  	[smem:$0x3FAC] =	sst s6  }
0xf: {  	[smem:$0x3FAD] =	sst s7  }
0x10: {  	[smem:$0x3FAE] =	sst s8  }
0x11: {  	[smem:$0x3FAF] =	sst s9;
	s0 =	simm.s32 @!p0 $0x0  }
0x12: {  	s1 =	sld [smem:$0x3F95];
	s0 =	simm.s32 @p0 $0x1  }
0x13: {  	[smem:$0x3FB0] =	sst s0;
	s0 =	simm.s32 @!p1 $0x0  }
0x14: {  	s2 =	sld [smem:$0x3F94];
	s0 =	simm.s32 @p1 $0x1  }
0x15: {  	[smem:$0x3FB1] =	sst s0;
	s0 =	simm.s32 @!p2 $0x0  }
0x16: {  	s3 =	sld [smem:$0x3FDB];
	s0 =	simm.s32 @p2 $0x1  }
0x17: {  	s4 =	simm.s32 $0x1BF5;
	[smem:$0x3FB3] =	sst s0  }
0x18: {  	s0 =	sld [smem:$0x3F96];
	_ =	swait.ge [sflag:s4], $0x0  }
0x19: {  	s7 =	sld [smem:$0x3F97]  }
0x1a: {  	s8 =	sadd.s32 $0xFFFFE003, lr  }
0x1b: {  	s9 =	sadd.s32 $0xFFFFFEF7, lr;
	s5 =	simm.s32 $0xFFFFFFFF;
	p2 =	slt.u32 s8, $0xFFFFF086  }
0x1c: {  	p1 =	slt.u32 s9, $0xF7A;
	s5 =	simm.s32 @!p2 $0x0  }
0x1d: {  	s5 =	simm.s32 @p1 $0x1;
	p0 =	seq.s32 s7, s2  }
0x1e: {  	s7 =	smul.u32 @!p0 $0xF7A, s2;
	p2 =	seq.s32 @!p0 s5, $0x0  }
0x1f: {  	s9 =	smul.u32 $0xF7A, s1;
	s8 =	simm.s32 @!p0 $0x1BF5;
	p2 =	por !p2, p0  }
0x20: {  	[sflag:s8] =	ssyncset.s32 @!p0 $0xFFFFF086;
	s6 =	sadd.s32 @!p0 s3, s7;
	s7 =	simm.s32 @!p0 $0x108  }
0x21: {  	s3 =	sadd.s32 s3, s9;
	s6 =	sadd.s32 @!p0 $0x88, s6;
	s7 =	simm.s32 @p2 $0x1082  }
0x22: {  	[simem:s7], [sflag:s8] =	dma.local @!p0 [hbm:s6], $0xF7A  }
0x23: {  	s9 =	sor.u32 $0xD0000000, s2;
	s6 =	simm.s32 $0x108;
	_ =	swait.ge @!p0 [sflag:s8], $0x0  }
0x24: {  	s3 =	sadd.s32 $0x88, s3;
	s6 =	simm.s32 @!p1 $0x1082;
	[sflag:s4] =	ssyncset.s32 $0xFFFFF086  }
0x25: {  	[simem:s6], [sflag:s4] =	dma.local [hbm:s3], $0xF7A  }
0x26: {  	[smem:$0x3F97] =	sst s1;
	(tag) =	ssettag s2;
	_ =	strace s9  }
0x27: {  	s1 =	sld [smem:$0x3FA7]  }
0x28: {  	s2 =	sld [smem:$0x3FA8]  }
0x29: {  	s4 =	sld [smem:$0x3FAA]  }
0x2a: {  	p0 =	seq.s32 s5, $0x0;
	s5 =	sld [smem:$0x3FAB]  }
0x2b: {  	s6 =	sld [smem:$0x3FAC]  }
0x2c: {  	s7 =	sld [smem:$0x3FAD]  }
0x2d: {  	s3 =	simm.s32 $0x108;
	s8 =	sld [smem:$0x3FAE]  }
0x2e: {  	s3 =	simm.s32 @!p0 $0x1082;
	s9 =	sld [smem:$0x3FAF]  }
0x2f: {  	lr =	sadd.s32 s0, s3;
	s0 =	sld [smem:$0x3FA6]  }
0x30: {  	s3 =	sld [smem:$0x3FA9]  }
0x31: {  	[smem:$0x3FB2] =	sst s10  }
0x32: {  	s10 =	sld [smem:$0x3FB0];
	_ =	sdelay $0x3  }
0x33: {  	p0 =	seq.s32 s10, $0x1;
	s10 =	sld [smem:$0x3FB2];
	_ =	sdelay $0x3  }
0x34: {  	[smem:$0x3FB2] =	sst s10  }
0x35: {  	s10 =	sld [smem:$0x3FB1];
	_ =	sdelay $0x3  }
0x36: {  	p1 =	seq.s32 s10, $0x1;
	s10 =	sld [smem:$0x3FB2];
	_ =	sdelay $0x3  }
0x37: {  	[smem:$0x3FB2] =	sst s10  }
0x38: {  	s10 =	sld [smem:$0x3FB3]  }
0x39: {  	_ = 	snop;
	(pc) =	sbr.ind lr, $3  }
0x3a: {  	_ = 	snop  }
0x3b: {  	_ = 	snop  }
0x3c: {  	p2 =	seq.s32 s10, $0x1;
	s10 =	sld [smem:$0x3FB2]  }
0x3d: {  	_ =	shalt  }
0x3e: {  	_ =	shalt  }
0x3f: {  	_ =	shalt  }
0x40: {  	_ =	shalt  }
0x41: {  	_ =	shalt  }
0x42: {  	_ =	shalt  }
0x43: {  	_ =	shalt  }
0x44: {  	_ =	shalt  }
0x45: {  	_ =	shalt  }
0x46: {  	_ =	shalt  }
0x47: {  	_ =	shalt  }
0x48: {  	_ =	shalt  }
0x49: {  	_ =	shalt  }
0x4a: {  	_ =	shalt  }
0x4b: {  	_ =	shalt  }
0x4c: {  	_ =	shalt  }
0x4d: {  	_ =	shalt  }
0x4e: {  	_ =	shalt  }
0x4f: {  	_ =	shalt  }
0x50: {  	_ =	shalt  }
0x51: {  	_ =	shalt  }
0x52: {  	_ =	shalt  }
0x53: {  	_ =	shalt  }
0x54: {  	_ =	shalt  }
0x55: {  	_ =	shalt  }
0x56: {  	_ =	shalt  }
0x57: {  	_ =	shalt  }
0x58: {  	_ =	shalt  }
0x59: {  	_ =	shalt  }
0x5a: {  	_ =	shalt  }
0x5b: {  	_ =	shalt  }
0x5c: {  	_ =	shalt  }
0x5d: {  	_ =	shalt  }
0x5e: {  	_ =	shalt  }
0x5f: {  	_ =	shalt  }
0x60: {  	_ =	shalt  }
0x61: {  	_ =	shalt  }
0x62: {  	_ =	shalt  }
0x63: {  	_ =	shalt  }
0x64: {  	_ =	shalt  }
0x65: {  	_ =	shalt  }
0x66: {  	_ =	shalt  }
0x67: {  	_ =	shalt  }
0x68: {  	_ =	shalt  }
0x69: {  	_ =	shalt  }
0x6a: {  	_ =	shalt  }
0x6b: {  	_ =	shalt  }
0x6c: {  	_ =	shalt  }
0x6d: {  	_ =	shalt  }
0x6e: {  	_ =	shalt  }
0x6f: {  	_ =	shalt  }
0x70: {  	_ =	shalt  }
0x71: {  	_ =	shalt  }
0x72: {  	_ =	shalt  }
0x73: {  	_ =	shalt  }
0x74: {  	_ =	shalt  }
0x75: {  	_ =	shalt  }
0x76: {  	_ =	shalt  }
0x77: {  	_ =	shalt  }
0x78: {  	_ =	shalt  }
0x79: {  	_ =	shalt  }
0x7a: {  	_ =	shalt  }
0x7b: {  	_ =	shalt  }
0x7c: {  	_ =	shalt  }
0x7d: {  	_ =	shalt  }
0x7e: {  	_ =	shalt  }
0x7f: {  	_ =	shalt  }
0x80: {  	_ =	shalt  }
0x81: {  	_ =	shalt  }
0x82: {  	_ =	shalt  }
0x83: {  	_ =	shalt  }
0x84: {  	_ =	shalt  }
0x85: {  	_ =	shalt  }
0x86: {  	_ =	shalt  }
0x87: {  	_ =	shalt  }
.Lfunc_end0:
.L_simem_size_0:
called_computation_lowered:
.L_overlay_start_0:
0x88: {  	s2 =	sld [smem:$0x3FD9]  }
0x89: {  	s3 =	sld [smem:$0x3FFE];
	_ =	sdelay $0x1  }
0x8a: {  	s1 =	srdreg.scid  }
0x8b: {  	s0 =	sand.u32 $0x1, s1  }
0x8c: {  	s14 =	sshll.u32 s0, $0xA;
	s2 =	sadd.s32 s3, s2  }
0x8d: {  	s2 =	sadd.s32 s2, s14  }
0x8e: {  	[smem:$0x3FBE] =	sst s2  }
0x8f: {  	_ = 	snop  }
0x90: {  	s2 =	sld [smem:$0x3FD0];
	_ =	sdelay $0x2  }
0x91: {  	s15 =	simm.s32 $0xA;
	s4 =	simm.s32 $0x10  }
0x92: {  	[smem:s4], [sflag:s15] =	dma.local [hbm:s2], $0x1  }
0x93: {  	_ =	swait.eq [sflag:s15], $0x1  }
0x94: {  	[sflag:s15] =	ssyncset.done $0x0  }
0x95: {  	s16 =	sld [smem:$0x10];
	[sflag:s15] =	ssyncadd.s32 $0xFFFFFFFF  }
0x96: {  	s17 =	sld [smem:$0x11];
	(tm) =	ssettm $0x1  }
0x97: {  	s18 =	sld [smem:$0x3FFB];
	_ =	sdelay $0x3  }
0x98: {  	_ =	strace s18  }
0x99: {  	s4 =	sld [smem:$0x3FFC];
	_ =	sdelay $0x3  }
0x9a: {  	_ =	strace s4  }
0x9b: {  	s4 =	sld [smem:$0x3FFD];
	_ =	sdelay $0x3  }
0x9c: {  	_ =	strace s4  }
0x9d: {  	_ =	strace $0x8FFFFFFF  }
0x9e: {  	s19 =	sld [smem:$0x3FDB];
	_ =	sdelay $0x1  }
0x9f: {  	s5 =	simm.s32 $_scs_section_size  }
0xa0: {  	s6 =	simm.s32 $_size__tile_overlayer_lowered;
	s7 =	simm.s32 $_tile_overlayer_lowered  }
0xa1: {  	s22 =	simm.s32 $0x1BFF;
	s21 =	sshll.u32 s7, $0x1;
	s4 =	sadd.s32 s5, s19  }
0xa2: {  	s8 =	simm.s32 $0x0;
	s20 =	sshll.u32 s6, $0x1;
	s6 =	sadd.s32 s21, s4  }
0xa3: {  	[timem:s8], [sflag:s22] =	dma.local [hbm:s6], s20  }
0xa4: {  	_ =	swait.ge [sflag:s22], s20  }
0xa5: {  	s5 =	ssub.s32 $0x0, s20;
	[sflag:s22] =	ssyncset.done $0x0  }
0xa6: {  	[sflag:s22] =	ssyncadd.s32 s5;
	_ =	sdelay $0x1  }
0xa7: {  	s23 =	simm.s32 $0x1B8B  }
0xa8: {  	_ =	swait.ge [sflag:s23], $0x1  }
0xa9: {  	[sflag:s23] =	ssyncset.done $0x0  }
0xaa: {  	s25 =	simm.s32 $0x1B8E;
	s24 =	sld [smem:$0x3FFE];
	[sflag:s23] =	ssyncadd.s32 $0xFFFFFFFF  }
0xab: {  	s26 =	simm.s32 $execute0_lowered;
	[smem:$0x3FD2] =	sst s25  }
0xac: {  	s6 =	sshll.u32 s26, $0x1;
	_ =	strace $0x80000046;
	[dreg:$0x1] =	wrdreg $0xFFFFFFFF  }
0xad: {  	s28 =	simm.s32 $_size_execute0_lowered;
	s4 =	sadd.s32 s4, s6;
	[dreg:$0x0] =	wrdreg $0x0  }
0xae: {  	s6 =	sshll.u32 s28, $0x1;
	[dreg:$0x2] =	wrdreg s4  }
0xaf: {  	[dreg:$0x3] =	wrdreg s6  }
0xb0: {  	[dreg:$0x4] =	wrdreg $0xC0  }
0xb1: {  	_ =	task [dreg:s8], $0x5FFFF  }
0xb2: {  	[dreg:$0x1] =	wrdreg $0xFFFFFFFF  }
0xb3: {  	[dreg:$0x0] =	wrdreg $0x60  }
0xb4: {  	[dreg:$0x2] =	wrdreg s24  }
0xb5: {  	[dreg:$0x3] =	wrdreg s16  }
0xb6: {  	[dreg:$0x4] =	wrdreg s17  }
0xb7: {  	[dreg:$0x5] =	wrdreg $0x98300  }
0xb8: {  	[dreg:$0x6] =	wrdreg $0x9  }
0xb9: {  	_ =	task.clear_ibuf [dreg:s8], $0x7FFFF;
	_ =	strace $0x90000046  }
0xba: {  	s29 =	simm.s32 $0x9;
	_ =	strace $0x80000048  }
0xbb: {  	_ =	swait.ge [sflag:s29], $0x1  }
0xbc: {  	[sflag:s29] =	ssyncadd.s32 $0xFFFFFFFF  }
0xbd: {  	_ =	strace $0x90000048  }
0xbe: {  	_ =	sfence  }
0xbf: {  	s30 =	sld [smem:$0x0];
	_ =	sdelay $0x2  }
0xc0: {  	s31 =	sshll.u32 s1, $0xD;
	s1 =	sshrl.u32 s1, $0x2  }
0xc1: {  	s3 =	sand.u32 $0x4000, s31;
	s1 =	sadd.s32 s1, s30  }
0xc2: {  	s0 =	sor.u32 s3, s0;
	s1 =	sshll.u32 s1, $0x11  }
0xc3: {  	s0 =	sor.u32 s1, s0  }
0xc4: {  	s0 =	sadd.s32 $0x8F2B, s0  }
0xc5: {  	[sflag:s0] =	ssyncadd.remote.s32 $0x1  }
0xc6: {  	_ =	sfence.sel $0xFFFF  }
0xc7: {  	[dreg:$0x0] =	wrdreg $0xFFFFFFFF;
	(pc) =	sbr.abs _section_cstart, $3  }
0xc8: {  	[dreg:$0x1] =	wrdreg $0xFFFFFFFF  }
0xc9: {  	_ =	task.clear_ibuf [dreg:s8], $0x2FFFF;
	_ =	strace $0x9FFFFFFF  }
0xca: {  	(tm) =	ssettm $0x7FFFFFFF  }
0xcb: {  	_ =	shalt  }
tec
execute0_lowered:
.L_overlay_start_1:
0x0: {  	(tag) =	ssettag $0x1  }
0x1: {  	s6 =	rddreg [dreg:$0x0]  }
0x2: {  	s2 =	rddreg [dreg:$0x1]  }
0x3: {  	s7 =	rddreg [dreg:$0x2]  }
0x4: {  	s3 =	rddreg [dreg:$0x3];
	s1 =	stileid.u32  }
0x5: {  	s4 =	simm.s32 $0x0;
	s5 =	srdreg.scid;
	s18 =	simm.s32 $0x4E30  }
0x6: {  	s19 =	simm.s32 $0x3;
	s20 =	simm.s32 $0x4EB0;
	s21 =	simm.s32 $0x80  }
0x7: {  	s22 =	simm.s32 $0x4F30;
	s23 =	simm.s32 $0x5030;
	s25 =	simm.s32 $0x4FB0  }
0x8: {  	s26 =	simm.s32 $0x0;
	s9 =	smul.u32 $0x16380, s1;
	[smem:$0x7FF] =	sst s4  }
0x9: {  	s10 =	sand.u32 $0x1, s5;
	s8 =	smul.u32 $0x2C70, s1;
	s5 =	sadd.s32 $0x9EE00, s6  }
0xa: {  	s16 =	sshll.u32 s1, $0x6;
	_ =	strace $0x80000047;
	s11 =	smul.u32 $0x2C700, s10  }
0xb: {  	s12 =	sshll.u32 s10, $0x1;
	s14 =	smul.u32 $0x4E20, s10;
	s29 =	ssub.s32 $0x2, s10  }
0xc: {  	s24 =	smul.u32 $0x2710, s10;
	s10 =	sadd.s32 $0x9C40, s2;
	s16 =	sor.u32 $0x1C02, s16  }
0xd: {  	s13 =	sshrl.u32 s9, $0x3;
	s12 =	sadd.s32 s12, s6;
	s30 =	sshrl.u32 s29, $0x1  }
0xe: {  	s17 =	sadd.s32 s9, s3;
	s13 =	sadd.s32 s13, s6;
	s8 =	sadd.s32 s8, s11  }
.Ltmp0:
0xf: {  	s14 =	sshrl.u32 s14, $0x3;
	s31 =	ssub.s32 s29, s30;
	(pc) =	sbr.rel .LBB2_1-.Ltmp0, $4  }
0x10: {  	s17 =	sshrl.u32 s17, $0x3;
	v0 =	vmov s24;
	s24 =	simm.s32 $0x1;
	s15 =	sadd.s32 s8, s6  }
0x11: {  	s6 =	sadd.s32 s7, s14;
	s8 =	sadd.s32 $0x9EC00, s12;
	s9 =	sadd.s32 $0xF6E00, s13  }
0x12: {  	s12 =	smax.u32 s31, $0x1;
	s13 =	simm.s32 $0x2;
	s14 =	simm.s32 $0x2710  }
0x13: {  	s7 =	sadd.s32 $0x4E2, s6;
	s11 =	sadd.s32 $0x123600, s15;
	s15 =	simm.s32 $0x4E20  }
.LBB2_7:
0x14: {  	s26 =	sadd.s32 $0x1, s26  }
0x15: {  	p0 =	sne.s32 s26, s12  }
.Ltmp1:
0x16: {  	[bflag:$0x0] =	sbarrier.arrive $0xFFFF;
	(pc) =	sbr.rel @!p0 .LBB2_8-.Ltmp1, $4  }
0x17: {  	[hbm:s11], [sflag:s16] =	dma.local [spmem:s17], $0x2C70  }
0x18: {  	_ =	swait.ge [sflag:s13], $0x2C70  }
0x19: {  	[sflag:s13] =	ssyncset.done $0x0  }
0x1a: {  	[sflag:s13] =	ssyncadd.s32 $0xFFFFD390  }
.LBB2_1:
0x1b: {  	[tilespmem:s4], [sflag:$0x2] =	stream.linear.gather [hbm4b:s6+s4], $0x2710, $0x38;
	[tilespmem:$0x1FBB0] =	vst v63  }
0x1c: {  	_ =	swait.ge [sflag:s13], $0x2710  }
0x1d: {  	[sflag:s13] =	ssyncset.done $0x0  }
0x1e: {  	[sflag:s13] =	ssyncadd.s32 $0xFFFFD8F0  }
0x1f: {  	[tilespmem:s14], [sflag:$0x2] =	stream.linear.gather [hbm4b:s7+s4], $0x2710, $0x38;
	[tilespmem:$0x1FBB0] =	vst v63  }
0x20: {  	_ =	swait.ge [sflag:s13], $0x2710  }
0x21: {  	[sflag:s13] =	ssyncset.done $0x0  }
0x22: {  	[sflag:s13] =	ssyncadd.s32 $0xFFFFD8F0  }
0x23: {  	[tilespmem:s15], [sflag:$0x2] =	stream.linear.gather [hbm4b:s8+s4], $0x10, $0x38;
	[tilespmem:$0x1FBB0] =	vst v63  }
0x24: {  	_ =	swait.ge [sflag:s13], $0x10  }
0x25: {  	[sflag:s13] =	ssyncset.done $0x0  }
0x26: {  	[sflag:s13] =	ssyncadd.s32 $0xFFFFFFF0  }
0x27: {  	[spmem:s17], [sflag:s16] =	dma.local [hbm:s9], $0x2C70  }
.Ltmp2:
0x28: {  	_ =	swait.ge [sflag:s13], $0x2C70;
	(pc) =	sbr.rel .LBB2_2-.Ltmp2, $4  }
0x29: {  	[sflag:s13] =	ssyncset.done $0x0  }
0x2a: {  	[sflag:s13] =	ssyncadd.s32 $0xFFFFD390  }
0x2b: {  	[bflag:$0x0] =	sbarrier.arrive $0xFFFF  }
0x2c: {  	s28 =	simm.s32 $0x0;
	v1 =	vld [tilespmem:$0x4E20]  }
.LBB2_6:
0x2d: {  	s28 =	sadd.s32 $0x1, s28  }
0x2e: {  	p0 =	sne.s32 s28, $0x9D  }
.Ltmp3:
0x2f: {  	_ = 	snop;
	(pc) =	sbr.rel @!p0 .LBB2_7-.Ltmp3, $1  }
0x30: {  	_ =	sdelay $0x3  }
.LBB2_2:
0x31: {  	s29 =	sshll.u32 s28, $0x4  }
0x32: {  	s29 =	sor.u32 s1, s29  }
0x33: {  	p0 =	sgt.u32 s29, $0x9C3  }
.Ltmp4:
0x34: {  	_ = 	snop;
	(pc) =	sbr.rel @p0 .LBB2_6-.Ltmp4, $1  }
0x35: {  	_ =	sdelay $0x3  }
0x36: {  	s30 =	sshll.u32 s29, $0x4  }
0x37: {  	s29 =	simm.s32 $0x0;
	s31 =	sadd.s32 s2, s30  }
0x38: {  	[tilespmem:s18], [sflag:$0x3] =	stream.linear.gather [hbm4b:s31+s29], $0x80, $0x38;
	[tilespmem:$0x1FBB0] =	vst v63  }
0x39: {  	_ =	swait.ge [sflag:s19], $0x80  }
0x3a: {  	[sflag:s19] =	ssyncset.done $0x0  }
0x3b: {  	s30 =	sadd.s32 s30, s10;
	[sflag:s19] =	ssyncadd.s32 $0xFFFFFF80  }
0x3c: {  	[tilespmem:s20], [sflag:$0x3] =	stream.linear.gather [hbm4b:s30+s29], $0x80, $0x38;
	[tilespmem:$0x1FBB0] =	vst v63  }
0x3d: {  	_ =	swait.ge [sflag:s19], $0x80  }
0x3e: {  	[sflag:s19] =	ssyncset.done $0x0  }
0x3f: {  	[sflag:s19] =	ssyncadd.s32 $0xFFFFFF80  }
0x40: {  	v2 =	vld [tilespmem:$0x4E30]  }
0x41: {  	v3 =	vld [tilespmem:$0x4EB0];
	_ =	sdelay $0x6  }
0x42: {  	v4 =	vld.idx.msk [tilespmem:v2+s29+$0x0], $0xffff  }
0x43: {  	v3 =	vld.idx.msk [tilespmem:v3+s14+$0x0], $0xffff;
	_ =	sdelay $0x4  }
0x44: {  	v3 =	vadd.f32 v3, v4;
	_ =	sdelay $0x1  }
0x45: {  	v4 =	vmul.f32 $2.000000030e-01, v3;
	_ =	sdelay $0x1  }
0x46: {  	v3 =	vmax.f32 v3, v4  }
0x47: {  	v3 =	vsub.f32 v3, v1;
	_ =	sdelay $0x1  }
0x48: {  	v3 =	vmul.f32 $1.442695020e+00, v3;
	_ =	sdelay $0x1  }
0x49: {  	(erf) = vpow2.f32 v3;
	_ =	sdelay $0x2  }
0x4a: {  	v3 =	vld [tilespmem:$0x4E40]  }
0x4b: {  	v4 =	vld [tilespmem:$0x4EC0];
	_ =	sdelay $0x3  }
0x4c: {  	v2 =	vadd.s32 v0, v2  }
0x4d: {  	[tilespmem:$0x4F30] =	vst v2;
	v5 =	vpop (erf)  }
0x4e: {  	[tilespmem:$0x4FB0] =	vst v5  }
0x4f: {  	v2 =	vld.idx.msk [tilespmem:v3+s29+$0x0], $0xffff  }
0x50: {  	v4 =	vld.idx.msk [tilespmem:v4+s14+$0x0], $0xffff;
	_ =	sdelay $0x4  }
0x51: {  	v2 =	vadd.f32 v4, v2;
	_ =	sdelay $0x1  }
0x52: {  	v4 =	vmul.f32 $2.000000030e-01, v2;
	_ =	sdelay $0x1  }
0x53: {  	v2 =	vmax.f32 v2, v4  }
0x54: {  	v2 =	vsub.f32 v2, v1;
	_ =	sdelay $0x1  }
0x55: {  	v2 =	vmul.f32 $1.442695020e+00, v2;
	_ =	sdelay $0x1  }
0x56: {  	(erf) = vpow2.f32 v2;
	_ =	sdelay $0x2  }
0x57: {  	v2 =	vld [tilespmem:$0x4E50]  }
0x58: {  	v4 =	vld [tilespmem:$0x4ED0];
	_ =	sdelay $0x3  }
0x59: {  	v3 =	vadd.s32 v0, v3  }
0x5a: {  	[tilespmem:$0x4F40] =	vst v3;
	v5 =	vpop (erf)  }
0x5b: {  	[tilespmem:$0x4FC0] =	vst v5  }
0x5c: {  	v3 =	vld.idx.msk [tilespmem:v2+s29+$0x0], $0xffff  }
0x5d: {  	v4 =	vld.idx.msk [tilespmem:v4+s14+$0x0], $0xffff;
	_ =	sdelay $0x4  }
0x5e: {  	v3 =	vadd.f32 v4, v3;
	_ =	sdelay $0x1  }
0x5f: {  	v4 =	vmul.f32 $2.000000030e-01, v3;
	_ =	sdelay $0x1  }
0x60: {  	v3 =	vmax.f32 v3, v4  }
0x61: {  	v3 =	vsub.f32 v3, v1;
	_ =	sdelay $0x1  }
0x62: {  	v3 =	vmul.f32 $1.442695020e+00, v3;
	_ =	sdelay $0x1  }
0x63: {  	(erf) = vpow2.f32 v3;
	_ =	sdelay $0x2  }
0x64: {  	v3 =	vld [tilespmem:$0x4E60]  }
0x65: {  	v4 =	vld [tilespmem:$0x4EE0];
	_ =	sdelay $0x3  }
0x66: {  	v2 =	vadd.s32 v0, v2  }
0x67: {  	[tilespmem:$0x4F50] =	vst v2;
	v5 =	vpop (erf)  }
0x68: {  	[tilespmem:$0x4FD0] =	vst v5  }
0x69: {  	v2 =	vld.idx.msk [tilespmem:v3+s29+$0x0], $0xffff  }
0x6a: {  	v4 =	vld.idx.msk [tilespmem:v4+s14+$0x0], $0xffff;
	_ =	sdelay $0x4  }
0x6b: {  	v2 =	vadd.f32 v4, v2;
	_ =	sdelay $0x1  }
0x6c: {  	v4 =	vmul.f32 $2.000000030e-01, v2;
	_ =	sdelay $0x1  }
0x6d: {  	v2 =	vmax.f32 v2, v4  }
0x6e: {  	v2 =	vsub.f32 v2, v1;
	_ =	sdelay $0x1  }
0x6f: {  	v2 =	vmul.f32 $1.442695020e+00, v2;
	_ =	sdelay $0x1  }
0x70: {  	(erf) = vpow2.f32 v2;
	_ =	sdelay $0x2  }
0x71: {  	v2 =	vld [tilespmem:$0x4E70]  }
0x72: {  	v4 =	vld [tilespmem:$0x4EF0];
	_ =	sdelay $0x3  }
0x73: {  	v3 =	vadd.s32 v0, v3  }
0x74: {  	[tilespmem:$0x4F60] =	vst v3;
	v5 =	vpop (erf)  }
0x75: {  	[tilespmem:$0x4FE0] =	vst v5  }
0x76: {  	v3 =	vld.idx.msk [tilespmem:v2+s29+$0x0], $0xffff  }
0x77: {  	v4 =	vld.idx.msk [tilespmem:v4+s14+$0x0], $0xffff;
	_ =	sdelay $0x4  }
0x78: {  	v3 =	vadd.f32 v4, v3;
	_ =	sdelay $0x1  }
0x79: {  	v4 =	vmul.f32 $2.000000030e-01, v3;
	_ =	sdelay $0x1  }
0x7a: {  	v3 =	vmax.f32 v3, v4  }
0x7b: {  	v3 =	vsub.f32 v3, v1;
	_ =	sdelay $0x1  }
0x7c: {  	v3 =	vmul.f32 $1.442695020e+00, v3;
	_ =	sdelay $0x1  }
0x7d: {  	(erf) = vpow2.f32 v3;
	_ =	sdelay $0x2  }
0x7e: {  	v3 =	vld [tilespmem:$0x4E80]  }
0x7f: {  	v4 =	vld [tilespmem:$0x4F00];
	_ =	sdelay $0x3  }
0x80: {  	v2 =	vadd.s32 v0, v2  }
0x81: {  	[tilespmem:$0x4F70] =	vst v2;
	v5 =	vpop (erf)  }
0x82: {  	[tilespmem:$0x4FF0] =	vst v5  }
0x83: {  	v2 =	vld.idx.msk [tilespmem:v3+s29+$0x0], $0xffff  }
0x84: {  	v4 =	vld.idx.msk [tilespmem:v4+s14+$0x0], $0xffff;
	_ =	sdelay $0x4  }
0x85: {  	v2 =	vadd.f32 v4, v2;
	_ =	sdelay $0x1  }
0x86: {  	v4 =	vmul.f32 $2.000000030e-01, v2;
	_ =	sdelay $0x1  }
0x87: {  	v2 =	vmax.f32 v2, v4  }
0x88: {  	v2 =	vsub.f32 v2, v1;
	_ =	sdelay $0x1  }
0x89: {  	v2 =	vmul.f32 $1.442695020e+00, v2;
	_ =	sdelay $0x1  }
0x8a: {  	(erf) = vpow2.f32 v2;
	_ =	sdelay $0x2  }
0x8b: {  	v2 =	vld [tilespmem:$0x4E90]  }
0x8c: {  	v4 =	vld [tilespmem:$0x4F10];
	_ =	sdelay $0x3  }
0x8d: {  	v3 =	vadd.s32 v0, v3  }
0x8e: {  	[tilespmem:$0x4F80] =	vst v3;
	v5 =	vpop (erf)  }
0x8f: {  	[tilespmem:$0x5000] =	vst v5  }
0x90: {  	v3 =	vld.idx.msk [tilespmem:v2+s29+$0x0], $0xffff  }
0x91: {  	v4 =	vld.idx.msk [tilespmem:v4+s14+$0x0], $0xffff;
	_ =	sdelay $0x4  }
0x92: {  	v3 =	vadd.f32 v4, v3;
	_ =	sdelay $0x1  }
0x93: {  	v4 =	vmul.f32 $2.000000030e-01, v3;
	_ =	sdelay $0x1  }
0x94: {  	v3 =	vmax.f32 v3, v4  }
0x95: {  	v3 =	vsub.f32 v3, v1;
	_ =	sdelay $0x1  }
0x96: {  	v3 =	vmul.f32 $1.442695020e+00, v3;
	_ =	sdelay $0x1  }
0x97: {  	(erf) = vpow2.f32 v3;
	_ =	sdelay $0x2  }
0x98: {  	v3 =	vld [tilespmem:$0x4EA0]  }
0x99: {  	v4 =	vld [tilespmem:$0x4F20];
	_ =	sdelay $0x3  }
0x9a: {  	v2 =	vadd.s32 v0, v2  }
0x9b: {  	[tilespmem:$0x4F90] =	vst v2;
	v5 =	vpop (erf)  }
0x9c: {  	[tilespmem:$0x5010] =	vst v5  }
0x9d: {  	v2 =	vld.idx.msk [tilespmem:v3+s29+$0x0], $0xffff  }
0x9e: {  	v4 =	vld.idx.msk [tilespmem:v4+s14+$0x0], $0xffff;
	_ =	sdelay $0x4  }
0x9f: {  	v2 =	vadd.f32 v4, v2;
	_ =	sdelay $0x1  }
0xa0: {  	v4 =	vmul.f32 $2.000000030e-01, v2;
	_ =	sdelay $0x1  }
0xa1: {  	v2 =	vmax.f32 v2, v4  }
0xa2: {  	v2 =	vsub.f32 v2, v1;
	_ =	sdelay $0x1  }
0xa3: {  	v2 =	vmul.f32 $1.442695020e+00, v2;
	_ =	sdelay $0x1  }
0xa4: {  	(erf) = vpow2.f32 v2;
	_ =	sdelay $0x8  }
0xa5: {  	v2 =	vpop (erf)  }
0xa6: {  	[tilespmem:$0x5020] =	vst v2;
	v2 =	vadd.s32 v0, v3  }
0xa7: {  	[tilespmem:$0x4FA0] =	vst v2  }
0xa8: {  	[tilespmem:s23], [sflag:$0x1] =	stream.indirect.gather [hbm4b:s5+s21], $0x90, s22, s21, $0xb8;
	[tilespmem:$0x1FBB0] =	vst v63  }
0xa9: {  	_ =	swait.ge [sflag:s24], $0x4800  }
0xaa: {  	v2 =	vmov s29;
	[sflag:s24] =	ssyncset.done $0x0  }
0xab: {  	s29 =	simm.s32 $0x5070;
	[sflag:s24] =	ssyncadd.s32 $0xFFFFB800  }
0xac: {  	v7 =	vld [tilespmem:s29+$0xFFFFFFC0]  }
0xad: {  	v10 =	vld [tilespmem:s29+$0x30]  }
0xae: {  	v8 =	vld [tilespmem:s29+$0x40]  }
0xaf: {  	v3 =	vld.idx.msk [tilespmem:v2+s25+$0x0], $0xffff  }
0xb0: {  	v12 =	vld [tilespmem:s29+$0xFFFFFFE0]  }
0xb1: {  	v2 =	vld [tilespmem:s29+$0xFFFFFFF0]  }
0xb2: {  	v4 =	vld [tilespmem:s29+$0x20]  }
0xb3: {  	v5 =	vld [tilespmem:s29+$0xFFFFFFD0]  }
0xb4: {  	v6 =	vld [tilespmem:s29+$0x10]  }
0xb5: {  	v11 =	vmul.f32 v7, v3;
	v9 =	vmul.f32 v8, v3;
	v7 =	vld [tilespmem:s29+$0x0]  }
0xb6: {  	s31 =	simm.s32 $0x5070;
	s30 =	simm.s32 $0x1;
	v8 =	vmul.f32 v12, v3;
	v10 =	vmul.f32 v10, v3  }
.LBB2_4:
0xb7: {  	p0 =	sne.s32 s30, $0x7F  }
0xb8: {  	[tilespmem:s29+$0xFFFFFFC0] =	vst v11;
	v5 =	vmul.f32 v5, v3;
	v4 =	vmul.f32 v4, v3;
	s31 =	sadd.s32 $0x90, s31;
	s0 =	smov.u32 s30;
	s30 =	sadd.s32 $0x1, s30  }
0xb9: {  	v11 =	vmul.f32 v2, v3;
	v2 =	vmul.f32 v6, v3;
	[tilespmem:s29+$0x40] =	vst v9  }
0xba: {  	v3 =	vmul.f32 v7, v3;
	[tilespmem:s29+$0x30] =	vst v10  }
0xbb: {  	[tilespmem:s29+$0xFFFFFFE0] =	vst v8  }
0xbc: {  	v6 =	vmov s0;
	[tilespmem:s29+$0x10] =	vst v2  }
0xbd: {  	v2 =	vld [tilespmem:s31+$0xFFFFFFF0];
	[tilespmem:s29+$0x0] =	vst v3  }
0xbe: {  	v8 =	vld [tilespmem:s31+$0xFFFFFFC0];
	[tilespmem:s29+$0xFFFFFFF0] =	vst v11  }
0xbf: {  	v10 =	vld [tilespmem:s31+$0x30];
	[tilespmem:s29+$0x20] =	vst v4  }
0xc0: {  	v9 =	vld [tilespmem:s31+$0x40];
	[tilespmem:s29+$0xFFFFFFD0] =	vst v5;
	s29 =	smov.u32 s31  }
0xc1: {  	v3 =	vld.idx.msk [tilespmem:v6+s25+$0x0], $0xffff  }
0xc2: {  	v12 =	vld [tilespmem:s31+$0xFFFFFFE0]  }
0xc3: {  	v4 =	vld [tilespmem:s31+$0x20]  }
.Ltmp5:
0xc4: {  	v5 =	vld [tilespmem:s31+$0xFFFFFFD0];
	(pc) =	sbr.rel @p0 .LBB2_4-.Ltmp5, $4  }
0xc5: {  	v6 =	vld [tilespmem:s31+$0x10]  }
0xc6: {  	v7 =	vld [tilespmem:s31+$0x0]  }
0xc7: {  	v11 =	vmul.f32 v8, v3;
	v9 =	vmul.f32 v9, v3  }
0xc8: {  	v10 =	vmul.f32 v10, v3;
	v8 =	vmul.f32 v12, v3  }
0xc9: {  	[tilespmem:s29+$0xFFFFFFC0] =	vst v11  }
0xca: {  	[tilespmem:s29+$0x40] =	vst v9  }
0xcb: {  	v2 =	vmul.f32 v2, v3;
	[tilespmem:s29+$0x30] =	vst v10  }
0xcc: {  	v4 =	vmul.f32 v4, v3;
	[tilespmem:s29+$0xFFFFFFE0] =	vst v8  }
0xcd: {  	v6 =	vmul.f32 v6, v3;
	[tilespmem:s29+$0xFFFFFFF0] =	vst v2  }
0xce: {  	v7 =	vmul.f32 v7, v3;
	[tilespmem:s29+$0x20] =	vst v4  }
0xcf: {  	v3 =	vmul.f32 v5, v3;
	[tilespmem:s29+$0x10] =	vst v6  }
0xd0: {  	[tilespmem:s29+$0x0] =	vst v7  }
.Ltmp6:
0xd1: {  	[tilespmem:s29+$0xFFFFFFD0] =	vst v3;
	(pc) =	sbr.rel .LBB2_6-.Ltmp6, $4  }
0xd2: {  	[spmem:s3] =	stream.indirect.scatter.add.f32 [tilespmem:s23], [sflag:$0x2], $0x90, s20, s21, $0xb8;
	[tilespmem:$0x1FBB0] =	vst v63  }
0xd3: {  	_ =	swait.ge [sflag:s13], $0x4800  }
0xd4: {  	[sflag:s13] =	ssyncset.done $0x0  }
0xd5: {  	[sflag:s13] =	ssyncadd.s32 $0xFFFFB800  }
.LBB2_8:
0xd6: {  	_ =	sfence.sel $0x180000  }
0xd7: {  	[bflag:$0x0] =	sbarrier.arrive $0xFFFF  }
0xd8: {  	_ =	strace $0x90000047  }
0xd9: {  	[bflag:$0x2] =	sbarrier.arrive $0xFFFF  }
0xda: {  	p0 =	sne.s32 s1, $0x0;
	s0 =	rddreg [dreg:$0x4]  }
0xdb: {  	s0 =	sadd.s32 @!p0 $0x100000, s0  }
0xdc: {  	[sflag:s0] =	ssyncadd.tile.s32 @!p0 $0x1;
	_ =	shalt  }
.Lfunc_end2:
_tile_overlayer_lowered:
.L_overlay_start_2:
0xdd: {  	(tag) =	ssettag $0x2  }
0xde: {  	s0 =	rddreg [dreg:$0x0];
	s2 =	stileid.u32  }
0xdf: {  	s1 =	rddreg [dreg:$0x1];
	p0 =	sne.s32 s2, $0x0  }
0xe0: {  	s3 =	rddreg [dreg:$0x2];
	[bflag:$0x3] =	sbarrier.arrive $0xFFFF;
	s2 =	simm.s32 @!p0 $0x1C02  }
0xe1: {  	[timem:s3], [sflag:s2] =	dma.local @!p0 [hbm:s0], s1  }
0xe2: {  	s0 =	simm.s32 @!p0 $0x2  }
0xe3: {  	_ =	swait.ge @!p0 [sflag:s0], s1  }
0xe4: {  	s1 =	ssub.s32 @!p0 $0x0, s1;
	[sflag:s0] =	ssyncset.done @!p0 $0x0  }
0xe5: {  	[sflag:s0] =	ssyncadd.s32 @!p0 s1  }
0xe6: {  	[bflag:$0x3] =	sbarrier.arrive $0xFFFF  }
0xe7: {  	_ =	shalt  }

// kernel: kernel.13.cloned.1.call-start
scs
__scs_entry_jumppad:
0x0: {  	(pc) =	sbr.rel $0x88, $3  }
0x1: {  	(tag) =	ssettag $0x0;
	lr =	simm.s32 $0x1  }
0x2: {  	[smem:$0x3F97] =	sst lr;
	_ =	strace $0xD0000000  }
0x3: {  	_ = 	snop  }
0x4: {  	_ = 	snop  }
0x5: {  	_ = 	snop  }
0x6: {  	_ = 	snop  }
0x7: {  	_ = 	snop  }
__scs_overlays_trampoline_lowered:
0x8: {  	[smem:$0x3FA6] =	sst s0  }
0x9: {  	[smem:$0x3FA7] =	sst s1  }
0xa: {  	[smem:$0x3FA8] =	sst s2  }
0xb: {  	[smem:$0x3FA9] =	sst s3  }
0xc: {  	[smem:$0x3FAA] =	sst s4  }
0xd: {  	[smem:$0x3FAB] =	sst s5  }
0xe: {  	[smem:$0x3FAC] =	sst s6  }
0xf: {  	[smem:$0x3FAD] =	sst s7  }
0x10: {  	[smem:$0x3FAE] =	sst s8  }
0x11: {  	[smem:$0x3FAF] =	sst s9;
	s0 =	simm.s32 @!p0 $0x0  }
0x12: {  	s1 =	sld [smem:$0x3F95];
	s0 =	simm.s32 @p0 $0x1  }
0x13: {  	[smem:$0x3FB0] =	sst s0;
	s0 =	simm.s32 @!p1 $0x0  }
0x14: {  	s2 =	sld [smem:$0x3F94];
	s0 =	simm.s32 @p1 $0x1  }
0x15: {  	[smem:$0x3FB1] =	sst s0;
	s0 =	simm.s32 @!p2 $0x0  }
0x16: {  	s3 =	sld [smem:$0x3FDB];
	s0 =	simm.s32 @p2 $0x1  }
0x17: {  	s4 =	simm.s32 $0x1BF5;
	[smem:$0x3FB3] =	sst s0  }
0x18: {  	s0 =	sld [smem:$0x3F96];
	_ =	swait.ge [sflag:s4], $0x0  }
0x19: {  	s7 =	sld [smem:$0x3F97]  }
0x1a: {  	s8 =	sadd.s32 $0xFFFFE003, lr  }
0x1b: {  	s9 =	sadd.s32 $0xFFFFFEF7, lr;
	s5 =	simm.s32 $0xFFFFFFFF;
	p2 =	slt.u32 s8, $0xFFFFF086  }
0x1c: {  	p1 =	slt.u32 s9, $0xF7A;
	s5 =	simm.s32 @!p2 $0x0  }
0x1d: {  	s5 =	simm.s32 @p1 $0x1;
	p0 =	seq.s32 s7, s2  }
0x1e: {  	s7 =	smul.u32 @!p0 $0xF7A, s2;
	p2 =	seq.s32 @!p0 s5, $0x0  }
0x1f: {  	s9 =	smul.u32 $0xF7A, s1;
	s8 =	simm.s32 @!p0 $0x1BF5;
	p2 =	por !p2, p0  }
0x20: {  	[sflag:s8] =	ssyncset.s32 @!p0 $0xFFFFF086;
	s6 =	sadd.s32 @!p0 s3, s7;
	s7 =	simm.s32 @!p0 $0x108  }
0x21: {  	s3 =	sadd.s32 s3, s9;
	s6 =	sadd.s32 @!p0 $0x88, s6;
	s7 =	simm.s32 @p2 $0x1082  }
0x22: {  	[simem:s7], [sflag:s8] =	dma.local @!p0 [hbm:s6], $0xF7A  }
0x23: {  	s9 =	sor.u32 $0xD0000000, s2;
	s6 =	simm.s32 $0x108;
	_ =	swait.ge @!p0 [sflag:s8], $0x0  }
0x24: {  	s3 =	sadd.s32 $0x88, s3;
	s6 =	simm.s32 @!p1 $0x1082;
	[sflag:s4] =	ssyncset.s32 $0xFFFFF086  }
0x25: {  	[simem:s6], [sflag:s4] =	dma.local [hbm:s3], $0xF7A  }
0x26: {  	[smem:$0x3F97] =	sst s1;
	(tag) =	ssettag s2;
	_ =	strace s9  }
0x27: {  	s1 =	sld [smem:$0x3FA7]  }
0x28: {  	s2 =	sld [smem:$0x3FA8]  }
0x29: {  	s4 =	sld [smem:$0x3FAA]  }
0x2a: {  	p0 =	seq.s32 s5, $0x0;
	s5 =	sld [smem:$0x3FAB]  }
0x2b: {  	s6 =	sld [smem:$0x3FAC]  }
0x2c: {  	s7 =	sld [smem:$0x3FAD]  }
0x2d: {  	s3 =	simm.s32 $0x108;
	s8 =	sld [smem:$0x3FAE]  }
0x2e: {  	s3 =	simm.s32 @!p0 $0x1082;
	s9 =	sld [smem:$0x3FAF]  }
0x2f: {  	lr =	sadd.s32 s0, s3;
	s0 =	sld [smem:$0x3FA6]  }
0x30: {  	s3 =	sld [smem:$0x3FA9]  }
0x31: {  	[smem:$0x3FB2] =	sst s10  }
0x32: {  	s10 =	sld [smem:$0x3FB0];
	_ =	sdelay $0x3  }
0x33: {  	p0 =	seq.s32 s10, $0x1;
	s10 =	sld [smem:$0x3FB2];
	_ =	sdelay $0x3  }
0x34: {  	[smem:$0x3FB2] =	sst s10  }
0x35: {  	s10 =	sld [smem:$0x3FB1];
	_ =	sdelay $0x3  }
0x36: {  	p1 =	seq.s32 s10, $0x1;
	s10 =	sld [smem:$0x3FB2];
	_ =	sdelay $0x3  }
0x37: {  	[smem:$0x3FB2] =	sst s10  }
0x38: {  	s10 =	sld [smem:$0x3FB3]  }
0x39: {  	_ = 	snop;
	(pc) =	sbr.ind lr, $3  }
0x3a: {  	_ = 	snop  }
0x3b: {  	_ = 	snop  }
0x3c: {  	p2 =	seq.s32 s10, $0x1;
	s10 =	sld [smem:$0x3FB2]  }
0x3d: {  	_ =	shalt  }
0x3e: {  	_ =	shalt  }
0x3f: {  	_ =	shalt  }
0x40: {  	_ =	shalt  }
0x41: {  	_ =	shalt  }
0x42: {  	_ =	shalt  }
0x43: {  	_ =	shalt  }
0x44: {  	_ =	shalt  }
0x45: {  	_ =	shalt  }
0x46: {  	_ =	shalt  }
0x47: {  	_ =	shalt  }
0x48: {  	_ =	shalt  }
0x49: {  	_ =	shalt  }
0x4a: {  	_ =	shalt  }
0x4b: {  	_ =	shalt  }
0x4c: {  	_ =	shalt  }
0x4d: {  	_ =	shalt  }
0x4e: {  	_ =	shalt  }
0x4f: {  	_ =	shalt  }
0x50: {  	_ =	shalt  }
0x51: {  	_ =	shalt  }
0x52: {  	_ =	shalt  }
0x53: {  	_ =	shalt  }
0x54: {  	_ =	shalt  }
0x55: {  	_ =	shalt  }
0x56: {  	_ =	shalt  }
0x57: {  	_ =	shalt  }
0x58: {  	_ =	shalt  }
0x59: {  	_ =	shalt  }
0x5a: {  	_ =	shalt  }
0x5b: {  	_ =	shalt  }
0x5c: {  	_ =	shalt  }
0x5d: {  	_ =	shalt  }
0x5e: {  	_ =	shalt  }
0x5f: {  	_ =	shalt  }
0x60: {  	_ =	shalt  }
0x61: {  	_ =	shalt  }
0x62: {  	_ =	shalt  }
0x63: {  	_ =	shalt  }
0x64: {  	_ =	shalt  }
0x65: {  	_ =	shalt  }
0x66: {  	_ =	shalt  }
0x67: {  	_ =	shalt  }
0x68: {  	_ =	shalt  }
0x69: {  	_ =	shalt  }
0x6a: {  	_ =	shalt  }
0x6b: {  	_ =	shalt  }
0x6c: {  	_ =	shalt  }
0x6d: {  	_ =	shalt  }
0x6e: {  	_ =	shalt  }
0x6f: {  	_ =	shalt  }
0x70: {  	_ =	shalt  }
0x71: {  	_ =	shalt  }
0x72: {  	_ =	shalt  }
0x73: {  	_ =	shalt  }
0x74: {  	_ =	shalt  }
0x75: {  	_ =	shalt  }
0x76: {  	_ =	shalt  }
0x77: {  	_ =	shalt  }
0x78: {  	_ =	shalt  }
0x79: {  	_ =	shalt  }
0x7a: {  	_ =	shalt  }
0x7b: {  	_ =	shalt  }
0x7c: {  	_ =	shalt  }
0x7d: {  	_ =	shalt  }
0x7e: {  	_ =	shalt  }
0x7f: {  	_ =	shalt  }
0x80: {  	_ =	shalt  }
0x81: {  	_ =	shalt  }
0x82: {  	_ =	shalt  }
0x83: {  	_ =	shalt  }
0x84: {  	_ =	shalt  }
0x85: {  	_ =	shalt  }
0x86: {  	_ =	shalt  }
0x87: {  	_ =	shalt  }
.Lfunc_end0:
.L_simem_size_0:
called_computation.1_lowered:
.L_overlay_start_0:
0x88: {  	s2 =	sld [smem:$0x3FD9]  }
0x89: {  	s3 =	sld [smem:$0x3FFE];
	_ =	sdelay $0x1  }
0x8a: {  	s1 =	srdreg.scid  }
0x8b: {  	s0 =	sand.u32 $0x1, s1  }
0x8c: {  	s14 =	sshll.u32 s0, $0xA;
	s2 =	sadd.s32 s3, s2  }
0x8d: {  	s2 =	sadd.s32 s2, s14  }
0x8e: {  	[smem:$0x3FBE] =	sst s2  }
0x8f: {  	_ = 	snop  }
0x90: {  	s2 =	sld [smem:$0x3FD0];
	_ =	sdelay $0x2  }
0x91: {  	s15 =	simm.s32 $0xA;
	s4 =	simm.s32 $0x10  }
0x92: {  	[smem:s4], [sflag:s15] =	dma.local [hbm:s2], $0x1  }
0x93: {  	_ =	swait.eq [sflag:s15], $0x1  }
0x94: {  	[sflag:s15] =	ssyncset.done $0x0  }
0x95: {  	s16 =	sld [smem:$0x10];
	[sflag:s15] =	ssyncadd.s32 $0xFFFFFFFF  }
0x96: {  	s17 =	sld [smem:$0x11];
	(tm) =	ssettm $0x1  }
0x97: {  	s18 =	sld [smem:$0x3FFB];
	_ =	sdelay $0x3  }
0x98: {  	_ =	strace s18  }
0x99: {  	s4 =	sld [smem:$0x3FFC];
	_ =	sdelay $0x3  }
0x9a: {  	_ =	strace s4  }
0x9b: {  	s4 =	sld [smem:$0x3FFD];
	_ =	sdelay $0x3  }
0x9c: {  	_ =	strace s4  }
0x9d: {  	_ =	strace $0x8FFFFFFF  }
0x9e: {  	s19 =	sld [smem:$0x3FDB];
	_ =	sdelay $0x1  }
0x9f: {  	s5 =	simm.s32 $_scs_section_size  }
0xa0: {  	s6 =	simm.s32 $_size__tile_overlayer_lowered;
	s7 =	simm.s32 $_tile_overlayer_lowered  }
0xa1: {  	s22 =	simm.s32 $0x1BFF;
	s21 =	sshll.u32 s7, $0x1;
	s4 =	sadd.s32 s5, s19  }
0xa2: {  	s8 =	simm.s32 $0x0;
	s20 =	sshll.u32 s6, $0x1;
	s6 =	sadd.s32 s21, s4  }
0xa3: {  	[timem:s8], [sflag:s22] =	dma.local [hbm:s6], s20  }
0xa4: {  	_ =	swait.ge [sflag:s22], s20  }
0xa5: {  	s5 =	ssub.s32 $0x0, s20;
	[sflag:s22] =	ssyncset.done $0x0  }
0xa6: {  	[sflag:s22] =	ssyncadd.s32 s5;
	_ =	sdelay $0x1  }
0xa7: {  	s23 =	simm.s32 $0x1B8B  }
0xa8: {  	_ =	swait.ge [sflag:s23], $0x1  }
0xa9: {  	[sflag:s23] =	ssyncset.done $0x0  }
0xaa: {  	s25 =	simm.s32 $0x1B8E;
	s24 =	sld [smem:$0x3FFE];
	[sflag:s23] =	ssyncadd.s32 $0xFFFFFFFF  }
0xab: {  	s26 =	simm.s32 $execute0_lowered;
	[smem:$0x3FD2] =	sst s25  }
0xac: {  	s6 =	sshll.u32 s26, $0x1;
	_ =	strace $0x80000049;
	[dreg:$0x1] =	wrdreg $0xFFFFFFFF  }
0xad: {  	s28 =	simm.s32 $_size_execute0_lowered;
	s4 =	sadd.s32 s4, s6;
	[dreg:$0x0] =	wrdreg $0x0  }
0xae: {  	s6 =	sshll.u32 s28, $0x1;
	[dreg:$0x2] =	wrdreg s4  }
0xaf: {  	[dreg:$0x3] =	wrdreg s6  }
0xb0: {  	[dreg:$0x4] =	wrdreg $0xC0  }
0xb1: {  	_ =	task [dreg:s8], $0x5FFFF  }
0xb2: {  	[dreg:$0x1] =	wrdreg $0xFFFFFFFF  }
0xb3: {  	[dreg:$0x0] =	wrdreg $0x60  }
0xb4: {  	[dreg:$0x2] =	wrdreg s24  }
0xb5: {  	[dreg:$0x3] =	wrdreg s16  }
0xb6: {  	[dreg:$0x4] =	wrdreg s17  }
0xb7: {  	[dreg:$0x5] =	wrdreg $0x78300  }
0xb8: {  	[dreg:$0x6] =	wrdreg $0x9  }
0xb9: {  	_ =	task.clear_ibuf [dreg:s8], $0x7FFFF;
	_ =	strace $0x90000049  }
0xba: {  	s29 =	simm.s32 $0x9;
	_ =	strace $0x8000004B  }
0xbb: {  	_ =	swait.ge [sflag:s29], $0x1  }
0xbc: {  	[sflag:s29] =	ssyncadd.s32 $0xFFFFFFFF  }
0xbd: {  	_ =	strace $0x9000004B  }
0xbe: {  	_ =	sfence  }
0xbf: {  	s30 =	sld [smem:$0x0];
	_ =	sdelay $0x2  }
0xc0: {  	s31 =	sshll.u32 s1, $0xD;
	s1 =	sshrl.u32 s1, $0x2  }
0xc1: {  	s3 =	sand.u32 $0x4000, s31;
	s1 =	sadd.s32 s1, s30  }
0xc2: {  	s0 =	sor.u32 s3, s0;
	s1 =	sshll.u32 s1, $0x11  }
0xc3: {  	s0 =	sor.u32 s1, s0  }
0xc4: {  	s0 =	sadd.s32 $0x8F2B, s0  }
0xc5: {  	[sflag:s0] =	ssyncadd.remote.s32 $0x1  }
0xc6: {  	_ =	sfence.sel $0xFFFF  }
0xc7: {  	[dreg:$0x0] =	wrdreg $0xFFFFFFFF;
	(pc) =	sbr.abs _section_cstart, $3  }
0xc8: {  	[dreg:$0x1] =	wrdreg $0xFFFFFFFF  }
0xc9: {  	_ =	task.clear_ibuf [dreg:s8], $0x2FFFF;
	_ =	strace $0x9FFFFFFF  }
0xca: {  	(tm) =	ssettm $0x7FFFFFFF  }
0xcb: {  	_ =	shalt  }
tec
execute0_lowered:
.L_overlay_start_1:
0x0: {  	(tag) =	ssettag $0x1  }
0x1: {  	s6 =	rddreg [dreg:$0x0]  }
0x2: {  	s1 =	rddreg [dreg:$0x1]  }
0x3: {  	s9 =	rddreg [dreg:$0x2]  }
0x4: {  	s2 =	rddreg [dreg:$0x3]  }
0x5: {  	s0 =	rddreg [dreg:$0x4];
	s3 =	simm.s32 $0x0  }
0x6: {  	s4 =	srdreg.scid;
	s18 =	simm.s32 $0x4E30;
	s19 =	simm.s32 $0x3  }
0x7: {  	s20 =	simm.s32 $0x4EB0;
	s21 =	simm.s32 $0x80;
	s10 =	sand.u32 $0x1, s4  }
0x8: {  	s22 =	simm.s32 $0x4F30;
	s4 =	stileid.u32;
	s7 =	smul.u32 $0x4E20, s10  }
0x9: {  	s23 =	simm.s32 $0x5030;
	s25 =	simm.s32 $0x4FB0;
	s8 =	smul.u32 $0x18B0, s4  }
0xa: {  	s26 =	simm.s32 $0x0;
	[smem:$0x7FF] =	sst s3;
	s12 =	smul.u32 $0x18B00, s10  }
0xb: {  	s5 =	sadd.s32 $0x3E00, s6;
	_ =	strace $0x8000004A;
	s14 =	smul.u32 $0xC580, s4  }
0xc: {  	s11 =	sshll.u32 s10, $0x1;
	s13 =	ssub.s32 $0x2, s10;
	s24 =	smul.u32 $0x2710, s10  }
0xd: {  	s10 =	sadd.s32 $0x9C40, s1;
	s16 =	sshll.u32 s4, $0x6;
	s11 =	sadd.s32 s11, s6  }
0xe: {  	s30 =	sshrl.u32 s13, $0x1;
	s16 =	sor.u32 $0x1C02, s16;
	s7 =	sshrl.u32 s7, $0x3  }
0xf: {  	s8 =	sadd.s32 s8, s12;
	s12 =	ssub.s32 s13, s30;
	s31 =	sshrl.u32 s14, $0x3  }
.Ltmp0:
0x10: {  	s17 =	sadd.s32 s14, s2;
	s13 =	simm.s32 $0x2;
	(pc) =	sbr.rel .LBB2_1-.Ltmp0, $4  }
0x11: {  	s14 =	simm.s32 $0x2710;
	v0 =	vmov s24;
	s24 =	simm.s32 $0x1;
	s7 =	sadd.s32 s7, s6  }
0x12: {  	s15 =	sadd.s32 s8, s6;
	s8 =	sadd.s32 $0x2800, s11;
	s9 =	sadd.s32 s9, s31  }
0x13: {  	s12 =	smax.u32 s12, $0x1;
	s17 =	sshrl.u32 s17, $0x3;
	s6 =	sadd.s32 $0x2A00, s7  }
0x14: {  	s7 =	sadd.s32 $0x2EE2, s7;
	s11 =	sadd.s32 $0x34C00, s15;
	s15 =	simm.s32 $0x4E20  }
.LBB2_7:
0x15: {  	s26 =	sadd.s32 $0x1, s26  }
0x16: {  	p0 =	sne.s32 s26, s12  }
.Ltmp1:
0x17: {  	[bflag:$0x0] =	sbarrier.arrive $0xFFFF;
	(pc) =	sbr.rel @!p0 .LBB2_8-.Ltmp1, $4  }
0x18: {  	[hbm:s11], [sflag:s16] =	dma.local [spmem:s17], $0x18B0  }
0x19: {  	_ =	swait.ge [sflag:s13], $0x18B0  }
0x1a: {  	[sflag:s13] =	ssyncset.done $0x0  }
0x1b: {  	[sflag:s13] =	ssyncadd.s32 $0xFFFFE750  }
.LBB2_1:
0x1c: {  	[tilespmem:s3], [sflag:$0x2] =	stream.linear.gather [hbm4b:s6+s3], $0x2710, $0x38;
	[tilespmem:$0x13DB0] =	vst v63  }
0x1d: {  	_ =	swait.ge [sflag:s13], $0x2710  }
0x1e: {  	[sflag:s13] =	ssyncset.done $0x0  }
0x1f: {  	[sflag:s13] =	ssyncadd.s32 $0xFFFFD8F0  }
0x20: {  	[tilespmem:s14], [sflag:$0x2] =	stream.linear.gather [hbm4b:s7+s3], $0x2710, $0x38;
	[tilespmem:$0x13DB0] =	vst v63  }
0x21: {  	_ =	swait.ge [sflag:s13], $0x2710  }
0x22: {  	[sflag:s13] =	ssyncset.done $0x0  }
0x23: {  	[sflag:s13] =	ssyncadd.s32 $0xFFFFD8F0  }
0x24: {  	[tilespmem:s15], [sflag:$0x2] =	stream.linear.gather [hbm4b:s8+s3], $0x10, $0x38;
	[tilespmem:$0x13DB0] =	vst v63  }
0x25: {  	_ =	swait.ge [sflag:s13], $0x10  }
0x26: {  	[sflag:s13] =	ssyncset.done $0x0  }
0x27: {  	[sflag:s13] =	ssyncadd.s32 $0xFFFFFFF0  }
0x28: {  	[spmem:s17], [sflag:s16] =	dma.local [hbm:s9], $0x18B0  }
.Ltmp2:
0x29: {  	_ =	swait.ge [sflag:s13], $0x18B0;
	(pc) =	sbr.rel .LBB2_2-.Ltmp2, $4  }
0x2a: {  	[sflag:s13] =	ssyncset.done $0x0  }
0x2b: {  	[sflag:s13] =	ssyncadd.s32 $0xFFFFE750  }
0x2c: {  	[bflag:$0x0] =	sbarrier.arrive $0xFFFF  }
0x2d: {  	s28 =	simm.s32 $0x0;
	v1 =	vld [tilespmem:$0x4E20]  }
.LBB2_6:
0x2e: {  	s28 =	sadd.s32 $0x1, s28  }
0x2f: {  	p0 =	sne.s32 s28, $0x9D  }
.Ltmp3:
0x30: {  	_ = 	snop;
	(pc) =	sbr.rel @!p0 .LBB2_7-.Ltmp3, $1  }
0x31: {  	_ =	sdelay $0x3  }
.LBB2_2:
0x32: {  	s29 =	sshll.u32 s28, $0x4  }
0x33: {  	s29 =	sor.u32 s4, s29  }
0x34: {  	p0 =	sgt.u32 s29, $0x9C3  }
.Ltmp4:
0x35: {  	_ = 	snop;
	(pc) =	sbr.rel @p0 .LBB2_6-.Ltmp4, $1  }
0x36: {  	_ =	sdelay $0x3  }
0x37: {  	s30 =	sshll.u32 s29, $0x4  }
0x38: {  	s29 =	simm.s32 $0x0;
	s31 =	sadd.s32 s1, s30  }
0x39: {  	[tilespmem:s18], [sflag:$0x3] =	stream.linear.gather [hbm4b:s31+s29], $0x80, $0x38;
	[tilespmem:$0x13DB0] =	vst v63  }
0x3a: {  	_ =	swait.ge [sflag:s19], $0x80  }
0x3b: {  	[sflag:s19] =	ssyncset.done $0x0  }
0x3c: {  	s30 =	sadd.s32 s30, s10;
	[sflag:s19] =	ssyncadd.s32 $0xFFFFFF80  }
0x3d: {  	[tilespmem:s20], [sflag:$0x3] =	stream.linear.gather [hbm4b:s30+s29], $0x80, $0x38;
	[tilespmem:$0x13DB0] =	vst v63  }
0x3e: {  	_ =	swait.ge [sflag:s19], $0x80  }
0x3f: {  	[sflag:s19] =	ssyncset.done $0x0  }
0x40: {  	[sflag:s19] =	ssyncadd.s32 $0xFFFFFF80  }
0x41: {  	v2 =	vld [tilespmem:$0x4E30]  }
0x42: {  	v3 =	vld [tilespmem:$0x4EB0];
	_ =	sdelay $0x6  }
0x43: {  	v4 =	vld.idx.msk [tilespmem:v2+s29+$0x0], $0xffff  }
0x44: {  	v3 =	vld.idx.msk [tilespmem:v3+s14+$0x0], $0xffff;
	_ =	sdelay $0x4  }
0x45: {  	v3 =	vadd.f32 v3, v4;
	_ =	sdelay $0x1  }
0x46: {  	v4 =	vmul.f32 $2.000000030e-01, v3;
	_ =	sdelay $0x1  }
0x47: {  	v3 =	vmax.f32 v3, v4  }
0x48: {  	v3 =	vsub.f32 v3, v1;
	_ =	sdelay $0x1  }
0x49: {  	v3 =	vmul.f32 $1.442695020e+00, v3;
	_ =	sdelay $0x1  }
0x4a: {  	(erf) = vpow2.f32 v3;
	_ =	sdelay $0x2  }
0x4b: {  	v3 =	vld [tilespmem:$0x4E40]  }
0x4c: {  	v4 =	vld [tilespmem:$0x4EC0];
	_ =	sdelay $0x3  }
0x4d: {  	v2 =	vadd.s32 v0, v2  }
0x4e: {  	[tilespmem:$0x4F30] =	vst v2;
	v5 =	vpop (erf)  }
0x4f: {  	[tilespmem:$0x4FB0] =	vst v5  }
0x50: {  	v2 =	vld.idx.msk [tilespmem:v3+s29+$0x0], $0xffff  }
0x51: {  	v4 =	vld.idx.msk [tilespmem:v4+s14+$0x0], $0xffff;
	_ =	sdelay $0x4  }
0x52: {  	v2 =	vadd.f32 v4, v2;
	_ =	sdelay $0x1  }
0x53: {  	v4 =	vmul.f32 $2.000000030e-01, v2;
	_ =	sdelay $0x1  }
0x54: {  	v2 =	vmax.f32 v2, v4  }
0x55: {  	v2 =	vsub.f32 v2, v1;
	_ =	sdelay $0x1  }
0x56: {  	v2 =	vmul.f32 $1.442695020e+00, v2;
	_ =	sdelay $0x1  }
0x57: {  	(erf) = vpow2.f32 v2;
	_ =	sdelay $0x2  }
0x58: {  	v2 =	vld [tilespmem:$0x4E50]  }
0x59: {  	v4 =	vld [tilespmem:$0x4ED0];
	_ =	sdelay $0x3  }
0x5a: {  	v3 =	vadd.s32 v0, v3  }
0x5b: {  	[tilespmem:$0x4F40] =	vst v3;
	v5 =	vpop (erf)  }
0x5c: {  	[tilespmem:$0x4FC0] =	vst v5  }
0x5d: {  	v3 =	vld.idx.msk [tilespmem:v2+s29+$0x0], $0xffff  }
0x5e: {  	v4 =	vld.idx.msk [tilespmem:v4+s14+$0x0], $0xffff;
	_ =	sdelay $0x4  }
0x5f: {  	v3 =	vadd.f32 v4, v3;
	_ =	sdelay $0x1  }
0x60: {  	v4 =	vmul.f32 $2.000000030e-01, v3;
	_ =	sdelay $0x1  }
0x61: {  	v3 =	vmax.f32 v3, v4  }
0x62: {  	v3 =	vsub.f32 v3, v1;
	_ =	sdelay $0x1  }
0x63: {  	v3 =	vmul.f32 $1.442695020e+00, v3;
	_ =	sdelay $0x1  }
0x64: {  	(erf) = vpow2.f32 v3;
	_ =	sdelay $0x2  }
0x65: {  	v3 =	vld [tilespmem:$0x4E60]  }
0x66: {  	v4 =	vld [tilespmem:$0x4EE0];
	_ =	sdelay $0x3  }
0x67: {  	v2 =	vadd.s32 v0, v2  }
0x68: {  	[tilespmem:$0x4F50] =	vst v2;
	v5 =	vpop (erf)  }
0x69: {  	[tilespmem:$0x4FD0] =	vst v5  }
0x6a: {  	v2 =	vld.idx.msk [tilespmem:v3+s29+$0x0], $0xffff  }
0x6b: {  	v4 =	vld.idx.msk [tilespmem:v4+s14+$0x0], $0xffff;
	_ =	sdelay $0x4  }
0x6c: {  	v2 =	vadd.f32 v4, v2;
	_ =	sdelay $0x1  }
0x6d: {  	v4 =	vmul.f32 $2.000000030e-01, v2;
	_ =	sdelay $0x1  }
0x6e: {  	v2 =	vmax.f32 v2, v4  }
0x6f: {  	v2 =	vsub.f32 v2, v1;
	_ =	sdelay $0x1  }
0x70: {  	v2 =	vmul.f32 $1.442695020e+00, v2;
	_ =	sdelay $0x1  }
0x71: {  	(erf) = vpow2.f32 v2;
	_ =	sdelay $0x2  }
0x72: {  	v2 =	vld [tilespmem:$0x4E70]  }
0x73: {  	v4 =	vld [tilespmem:$0x4EF0];
	_ =	sdelay $0x3  }
0x74: {  	v3 =	vadd.s32 v0, v3  }
0x75: {  	[tilespmem:$0x4F60] =	vst v3;
	v5 =	vpop (erf)  }
0x76: {  	[tilespmem:$0x4FE0] =	vst v5  }
0x77: {  	v3 =	vld.idx.msk [tilespmem:v2+s29+$0x0], $0xffff  }
0x78: {  	v4 =	vld.idx.msk [tilespmem:v4+s14+$0x0], $0xffff;
	_ =	sdelay $0x4  }
0x79: {  	v3 =	vadd.f32 v4, v3;
	_ =	sdelay $0x1  }
0x7a: {  	v4 =	vmul.f32 $2.000000030e-01, v3;
	_ =	sdelay $0x1  }
0x7b: {  	v3 =	vmax.f32 v3, v4  }
0x7c: {  	v3 =	vsub.f32 v3, v1;
	_ =	sdelay $0x1  }
0x7d: {  	v3 =	vmul.f32 $1.442695020e+00, v3;
	_ =	sdelay $0x1  }
0x7e: {  	(erf) = vpow2.f32 v3;
	_ =	sdelay $0x2  }
0x7f: {  	v3 =	vld [tilespmem:$0x4E80]  }
0x80: {  	v4 =	vld [tilespmem:$0x4F00];
	_ =	sdelay $0x3  }
0x81: {  	v2 =	vadd.s32 v0, v2  }
0x82: {  	[tilespmem:$0x4F70] =	vst v2;
	v5 =	vpop (erf)  }
0x83: {  	[tilespmem:$0x4FF0] =	vst v5  }
0x84: {  	v2 =	vld.idx.msk [tilespmem:v3+s29+$0x0], $0xffff  }
0x85: {  	v4 =	vld.idx.msk [tilespmem:v4+s14+$0x0], $0xffff;
	_ =	sdelay $0x4  }
0x86: {  	v2 =	vadd.f32 v4, v2;
	_ =	sdelay $0x1  }
0x87: {  	v4 =	vmul.f32 $2.000000030e-01, v2;
	_ =	sdelay $0x1  }
0x88: {  	v2 =	vmax.f32 v2, v4  }
0x89: {  	v2 =	vsub.f32 v2, v1;
	_ =	sdelay $0x1  }
0x8a: {  	v2 =	vmul.f32 $1.442695020e+00, v2;
	_ =	sdelay $0x1  }
0x8b: {  	(erf) = vpow2.f32 v2;
	_ =	sdelay $0x2  }
0x8c: {  	v2 =	vld [tilespmem:$0x4E90]  }
0x8d: {  	v4 =	vld [tilespmem:$0x4F10];
	_ =	sdelay $0x3  }
0x8e: {  	v3 =	vadd.s32 v0, v3  }
0x8f: {  	[tilespmem:$0x4F80] =	vst v3;
	v5 =	vpop (erf)  }
0x90: {  	[tilespmem:$0x5000] =	vst v5  }
0x91: {  	v3 =	vld.idx.msk [tilespmem:v2+s29+$0x0], $0xffff  }
0x92: {  	v4 =	vld.idx.msk [tilespmem:v4+s14+$0x0], $0xffff;
	_ =	sdelay $0x4  }
0x93: {  	v3 =	vadd.f32 v4, v3;
	_ =	sdelay $0x1  }
0x94: {  	v4 =	vmul.f32 $2.000000030e-01, v3;
	_ =	sdelay $0x1  }
0x95: {  	v3 =	vmax.f32 v3, v4  }
0x96: {  	v3 =	vsub.f32 v3, v1;
	_ =	sdelay $0x1  }
0x97: {  	v3 =	vmul.f32 $1.442695020e+00, v3;
	_ =	sdelay $0x1  }
0x98: {  	(erf) = vpow2.f32 v3;
	_ =	sdelay $0x2  }
0x99: {  	v3 =	vld [tilespmem:$0x4EA0]  }
0x9a: {  	v4 =	vld [tilespmem:$0x4F20];
	_ =	sdelay $0x3  }
0x9b: {  	v2 =	vadd.s32 v0, v2  }
0x9c: {  	[tilespmem:$0x4F90] =	vst v2;
	v5 =	vpop (erf)  }
0x9d: {  	[tilespmem:$0x5010] =	vst v5  }
0x9e: {  	v2 =	vld.idx.msk [tilespmem:v3+s29+$0x0], $0xffff  }
0x9f: {  	v4 =	vld.idx.msk [tilespmem:v4+s14+$0x0], $0xffff;
	_ =	sdelay $0x4  }
0xa0: {  	v2 =	vadd.f32 v4, v2;
	_ =	sdelay $0x1  }
0xa1: {  	v4 =	vmul.f32 $2.000000030e-01, v2;
	_ =	sdelay $0x1  }
0xa2: {  	v2 =	vmax.f32 v2, v4  }
0xa3: {  	v2 =	vsub.f32 v2, v1;
	_ =	sdelay $0x1  }
0xa4: {  	v2 =	vmul.f32 $1.442695020e+00, v2;
	_ =	sdelay $0x1  }
0xa5: {  	(erf) = vpow2.f32 v2;
	_ =	sdelay $0x8  }
0xa6: {  	v2 =	vpop (erf)  }
0xa7: {  	[tilespmem:$0x5020] =	vst v2;
	v2 =	vadd.s32 v0, v3  }
0xa8: {  	[tilespmem:$0x4FA0] =	vst v2  }
0xa9: {  	[tilespmem:s23], [sflag:$0x1] =	stream.indirect.gather [hbm4b:s5+s21], $0x50, s22, s21, $0xb8;
	[tilespmem:$0x13DB0] =	vst v63  }
0xaa: {  	v2 =	vmov s29;
	_ =	swait.ge [sflag:s24], $0x2800  }
0xab: {  	[sflag:s24] =	ssyncset.done $0x0  }
0xac: {  	s29 =	simm.s32 $0x5050;
	[sflag:s24] =	ssyncadd.s32 $0xFFFFD800  }
0xad: {  	v3 =	vld [tilespmem:s29+$0xFFFFFFF0]  }
0xae: {  	v4 =	vld [tilespmem:s29+$0x10]  }
0xaf: {  	v7 =	vld.idx.msk [tilespmem:v2+s25+$0x0], $0xffff  }
0xb0: {  	v2 =	vld [tilespmem:s29+$0xFFFFFFE0]  }
0xb1: {  	v6 =	vld [tilespmem:s29+$0x0]  }
0xb2: {  	v8 =	vld [tilespmem:s29+$0x20];
	_ =	sdelay $0x2  }
0xb3: {  	v9 =	vmul.f32 v2, v7  }
0xb4: {  	s30 =	simm.s32 $0x1;
	v5 =	vmul.f32 v3, v7;
	v6 =	vmul.f32 v6, v7  }
0xb5: {  	s31 =	simm.s32 $0x2;
	v3 =	vmul.f32 v4, v7;
	v2 =	vmov s30;
	v4 =	vmul.f32 v8, v7;
	s30 =	simm.s32 $0x5050;
	[tilespmem:s29+$0xFFFFFFE0] =	vst v9  }
.LBB2_4:
0xb6: {  	p0 =	sne.s32 s31, $0x7F;
	[tilespmem:s29+$0xFFFFFFF0] =	vst v5  }
0xb7: {  	s29 =	sadd.s32 $0x50, s29;
	[tilespmem:s30+$0x0] =	vst v6  }
0xb8: {  	v5 =	vld [tilespmem:s29+$0xFFFFFFF0];
	[tilespmem:s30+$0x10] =	vst v3  }
0xb9: {  	v3 =	vld [tilespmem:s29+$0x10];
	[tilespmem:s30+$0x20] =	vst v4;
	s30 =	smov.u32 s29  }
0xba: {  	v4 =	vld.idx.msk [tilespmem:v2+s25+$0x0], $0xffff  }
0xbb: {  	v2 =	vld [tilespmem:s29+$0xFFFFFFE0]  }
0xbc: {  	v6 =	vld [tilespmem:s29+$0x0]  }
0xbd: {  	v7 =	vld [tilespmem:s29+$0x20]  }
.Ltmp5:
0xbe: {  	(pc) =	sbr.rel @p0 .LBB2_4-.Ltmp5, $4  }
0xbf: {  	_ = 	snop  }
0xc0: {  	v5 =	vmul.f32 v5, v4;
	v8 =	vmul.f32 v2, v4  }
0xc1: {  	v3 =	vmul.f32 v3, v4;
	v6 =	vmul.f32 v6, v4  }
0xc2: {  	v2 =	vmov s31;
	s31 =	sadd.s32 $0x1, s31;
	[tilespmem:s29+$0xFFFFFFE0] =	vst v8;
	v4 =	vmul.f32 v7, v4  }
0xc3: {  	[tilespmem:s29+$0xFFFFFFF0] =	vst v5  }
0xc4: {  	s31 =	sadd.s32 $0x50, s29;
	[tilespmem:s30+$0x0] =	vst v6  }
0xc5: {  	v5 =	vld [tilespmem:s31+$0xFFFFFFF0];
	[tilespmem:s30+$0x10] =	vst v3  }
0xc6: {  	v3 =	vld [tilespmem:s31+$0x10]  }
0xc7: {  	[tilespmem:s30+$0x20] =	vst v4;
	v63 =	vld [tilespmem:s31+$0xFFFFFFE0]  }
0xc8: {  	v2 =	vld.idx.msk [tilespmem:v2+s25+$0x0], $0xffff;
	_ =	sdelay $0x1  }
0xc9: {  	v6 =	vld [tilespmem:s31+$0x0];
	_ =	sdelay $0x1  }
0xca: {  	v7 =	vld [tilespmem:s31+$0x20]  }
0xcb: {  	v4 =	vmul.f32 v63, v2  }
0xcc: {  	v5 =	vmul.f32 v5, v2  }
0xcd: {  	v6 =	vmul.f32 v6, v2;
	[tilespmem:s31+$0xFFFFFFE0] =	vst v4  }
0xce: {  	v3 =	vmul.f32 v3, v2;
	[tilespmem:s31+$0xFFFFFFF0] =	vst v5  }
0xcf: {  	v2 =	vmul.f32 v7, v2;
	[tilespmem:s31+$0x0] =	vst v6  }
0xd0: {  	[tilespmem:s31+$0x10] =	vst v3  }
.Ltmp6:
0xd1: {  	[tilespmem:s31+$0x20] =	vst v2;
	(pc) =	sbr.rel .LBB2_6-.Ltmp6, $4  }
0xd2: {  	[spmem:s2] =	stream.indirect.scatter.add.f32 [tilespmem:s23], [sflag:$0x2], $0x50, s20, s21, $0xb8;
	[tilespmem:$0x13DB0] =	vst v63  }
0xd3: {  	_ =	swait.ge [sflag:s13], $0x2800  }
0xd4: {  	[sflag:s13] =	ssyncset.done $0x0  }
0xd5: {  	[sflag:s13] =	ssyncadd.s32 $0xFFFFD800  }
.LBB2_8:
0xd6: {  	_ =	sfence.sel $0x180000  }
0xd7: {  	[bflag:$0x0] =	sbarrier.arrive $0xFFFF  }
0xd8: {  	p0 =	sne.s32 s4, $0x0;
	_ =	strace $0x9000004A  }
0xd9: {  	s0 =	sadd.s32 @!p0 $0x100000, s0;
	[bflag:$0x2] =	sbarrier.arrive $0xFFFF  }
0xda: {  	[sflag:s0] =	ssyncadd.tile.s32 @!p0 $0x1;
	_ =	shalt  }
.Lfunc_end2:
_tile_overlayer_lowered:
.L_overlay_start_2:
0xdb: {  	(tag) =	ssettag $0x2  }
0xdc: {  	s0 =	rddreg [dreg:$0x0];
	s2 =	stileid.u32  }
0xdd: {  	s1 =	rddreg [dreg:$0x1];
	p0 =	sne.s32 s2, $0x0  }
0xde: {  	s3 =	rddreg [dreg:$0x2];
	[bflag:$0x3] =	sbarrier.arrive $0xFFFF;
	s2 =	simm.s32 @!p0 $0x1C02  }
0xdf: {  	[timem:s3], [sflag:s2] =	dma.local @!p0 [hbm:s0], s1  }
0xe0: {  	s0 =	simm.s32 @!p0 $0x2  }
0xe1: {  	_ =	swait.ge @!p0 [sflag:s0], s1  }
0xe2: {  	s1 =	ssub.s32 @!p0 $0x0, s1;
	[sflag:s0] =	ssyncset.done @!p0 $0x0  }
0xe3: {  	[sflag:s0] =	ssyncadd.s32 @!p0 s1  }
0xe4: {  	[bflag:$0x3] =	sbarrier.arrive $0xFFFF  }
0xe5: {  	_ =	shalt  }

</sc_bundles>
